<compile_context>
chip_gen: v7x
topology: tpu7x:2x2x1
jax: 0.10.2.dev20260603
libtpu: 0.0.44.dev20260713+nightly
codegen_flags: <defaults>
</compile_context>

<pallas_src>
import functools

import jax
import jax.numpy as jnp
from jax import lax
from jax.experimental import pallas as pl
from jax.experimental.pallas import tpu as pltpu
from jax.experimental.pallas import tpu_sc as plsc

VOCAB = 100000
DIM = 128
BATCH = 16384

NUM_CORES = 2
NUM_SUBCORES = 16
NW = NUM_CORES * NUM_SUBCORES
BPW = BATCH // NW
CH = 128
NBUF = 3
LANES = 16


def _lane_permute(x, idx):
    dnums = lax.GatherDimensionNumbers(
        offset_dims=(), collapsed_slice_dims=(0,), start_index_map=(0,))
    return lax.gather(
        x, idx[:, None], dnums, slice_sizes=(1,),
        mode=lax.GatherScatterMode.PROMISE_IN_BOUNDS)


def _dot_chunk(a_v, b_v, out_v, slot, out0, n):
    lanes = lax.broadcasted_iota(jnp.int32, (LANES,), 0)
    perms = [lanes ^ step for step in (8, 4, 2, 1)]
    lane0 = lanes == 0

    @plsc.parallel_loop(0, n)
    def _(row):
        acc = None
        for k in range(DIM // LANES):
            av = a_v[slot, row, pl.ds(k * LANES, LANES)]
            bv = b_v[slot, row, pl.ds(k * LANES, LANES)]
            prod = av * bv
            acc = prod if acc is None else acc + prod
        for perm in perms:
            acc = acc + _lane_permute(acc, perm)
        plsc.store_scatter(out_v, [lanes + (out0 + row)], acc, mask=lane0)


@functools.partial(
    pl.kernel,
    mesh=plsc.VectorSubcoreMesh(core_axis_name="c", subcore_axis_name="s"),
    out_type=jax.ShapeDtypeStruct((BATCH,), jnp.float32),
    scratch_types=[
        pltpu.VMEM((BPW,), jnp.int32),
        pltpu.VMEM((BPW,), jnp.int32),
        pltpu.VMEM((NBUF, CH, DIM), jnp.float32),
        pltpu.VMEM((NBUF, CH, DIM), jnp.float32),
        pltpu.VMEM((BPW,), jnp.float32),
    ] + [pltpu.SemaphoreType.DMA] * (NBUF + 1),
    compiler_params=pltpu.CompilerParams(needs_layout_passes=False),
)
def _w2v_kernel(center_hbm, context_hbm, w_in_hbm, w_out_hbm, out_hbm,
                cidx_v, xidx_v, a_v, b_v, out_v, *all_sems):
    wid = lax.axis_index("s") * NUM_CORES + lax.axis_index("c")
    base = wid * BPW

    sems = all_sems[:NBUF]
    sem2 = all_sems[NBUF]

    chunks = [(0, CH // 2), (CH // 2, CH // 2)]
    off = CH
    while off < BPW:
        chunks.append((off, CH))
        off += CH

    first = chunks[0][1]
    hc = pltpu.async_copy(
        center_hbm.at[pl.ds(base, first)], cidx_v.at[pl.ds(0, first)], sem2)
    hx = pltpu.async_copy(
        context_hbm.at[pl.ds(base, first)], xidx_v.at[pl.ds(0, first)], sem2)
    hc.wait()
    hx.wait()

    def start(i):
        off, n = chunks[i]
        slot = i % NBUF
        ha = pltpu.async_copy(
            w_in_hbm.at[cidx_v.at[pl.ds(off, n)]],
            a_v.at[slot, pl.ds(0, n)], sems[slot])
        hb = pltpu.async_copy(
            w_out_hbm.at[xidx_v.at[pl.ds(off, n)]],
            b_v.at[slot, pl.ds(0, n)], sems[slot])
        return ha, hb

    pending = [start(0)]

    rest = BPW - first
    hc = pltpu.async_copy(
        center_hbm.at[pl.ds(base + first, rest)],
        cidx_v.at[pl.ds(first, rest)], sem2)
    hx = pltpu.async_copy(
        context_hbm.at[pl.ds(base + first, rest)],
        xidx_v.at[pl.ds(first, rest)], sem2)
    hc.wait()
    hx.wait()
    for j in range(1, NBUF - 1):
        pending.append(start(j))

    hout = None
    for i, (off, n) in enumerate(chunks):
        if i + NBUF - 1 < len(chunks):
            pending.append(start(i + NBUF - 1))
        ha, hb = pending.pop(0)
        ha.wait()
        hb.wait()
        slot = i % NBUF

        _dot_chunk(a_v, b_v, out_v, slot, off, n)

        if hout is not None:
            hout.wait()
        hout = pltpu.async_copy(
            out_v.at[pl.ds(off, n)],
            out_hbm.at[pl.ds(base + off, n)], sem2)

    hout.wait()


def kernel(center, context, W_in, W_out):
    return _w2v_kernel(center, context, W_in, W_out)

# --- scband reference (transcript-rebuilt; emitter-appended) ---
"""Pipeline reference for scband-word2-vec-10015863734808 (READ-ONLY COPY).

The authoritative reference and input builder live on the scoring server;
editing this copy changes nothing except your own understanding.
"""

import jax, jax.numpy as jnp
import numpy as np

VOCAB = 100000
DIM = 128
BATCH = 16384

def _xavier_uniform(key, shape):
    fan_in, fan_out = shape[1], shape[0]
    limit = float(np.sqrt(6.0 / (fan_in + fan_out)))
    return jax.random.uniform(key, shape, dtype=jnp.float32, minval=-limit, maxval=limit)

def setup_inputs(seed: int = 0) -> dict:
    key = jax.random.key(seed)
    k1, k2, k3, k4 = jax.random.split(key, 4)
    center = jax.random.randint(k1, (BATCH,), 0, VOCAB, dtype=jnp.int64 if jax.config.jax_enable_x64 else jnp.int32).astype(jnp.int32)
    context = jax.random.randint(k2, (BATCH,), 0, VOCAB, dtype=jnp.int64 if jax.config.jax_enable_x64 else jnp.int32).astype(jnp.int32)
    W_in = _xavier_uniform(k3, (VOCAB, DIM))
    W_out = _xavier_uniform(k4, (VOCAB, DIM))
    return {"center": center, "context": context, "W_in": W_in, "W_out": W_out}

def reference(center, context, W_in, W_out):
    center_emb = jnp.take(W_in, center, axis=0)
    context_emb = jnp.take(W_out, context, axis=0)
    score = jnp.sum(center_emb * context_emb, axis=1)
    return score

if __name__ == "__main__":
    import jax
    _d = setup_inputs()
    print(jax.jit(kernel)(*tuple(_d.values())))

</pallas_src>

<mosaic_0001>
#map = affine_map<(d0, d1) -> (0)>
#map1 = affine_map<(d0, d1) -> (0, 0)>
module attributes {stable_mosaic.version = 14 : i64} {
  func.func @_w2v_kernel(%arg0: i32, %arg1: i32, %arg2: memref<16384xi32, #tpu.memory_space<hbm>>, %arg3: memref<16384xi32, #tpu.memory_space<hbm>>, %arg4: memref<100000x128xf32, #tpu.memory_space<hbm>>, %arg5: memref<100000x128xf32, #tpu.memory_space<hbm>>, %arg6: memref<16384xf32, #tpu.memory_space<hbm>>, %arg7: memref<512xi32, #tpu.memory_space<vmem>>, %arg8: memref<512xi32, #tpu.memory_space<vmem>>, %arg9: memref<3x128x128xf32, #tpu.memory_space<vmem>>, %arg10: memref<3x128x128xf32, #tpu.memory_space<vmem>>, %arg11: memref<512xf32, #tpu.memory_space<vmem>>, %arg12: memref<!tpu.dma_semaphore, #tpu.memory_space<semaphore_mem>>, %arg13: memref<!tpu.dma_semaphore, #tpu.memory_space<semaphore_mem>>, %arg14: memref<!tpu.dma_semaphore, #tpu.memory_space<semaphore_mem>>, %arg15: memref<!tpu.dma_semaphore, #tpu.memory_space<semaphore_mem>>) attributes {dimension_semantics = [#tpu.dimension_semantics<core_parallel>, #tpu.dimension_semantics<subcore_parallel>], iteration_bounds = array<i64: 2, 16>, scalar_prefetch = 0 : i64, scratch_operands = 9 : i64, tpu.core_type = #tpu.core_type<sc_vector_subcore>, window_params = [{transform_indices = #map}, {transform_indices = #map}, {transform_indices = #map1}, {transform_indices = #map1}, {transform_indices = #map}]} {
    %mul3A = arith.constant 2 : i32
    %mul3A_0 = arith.muli %arg1, %mul3A : i32
    %add3A = arith.addi %mul3A_0, %arg0 : i32
    %mul3A_1 = arith.constant 512 : i32
    %mul3A_2 = arith.muli %add3A, %mul3A_1 : i32
    %dma_start3A = arith.constant 0 : i32
    %dma_start3A_3 = tpu.memref_slice %arg7[%dma_start3A] : memref<512xi32, #tpu.memory_space<vmem>> -> memref<64xi32, #tpu.memory_space<vmem>>
    %dma_start3A_4 = tpu.memref_slice %arg2[%mul3A_2] : memref<16384xi32, #tpu.memory_space<hbm>> -> memref<64xi32, #tpu.memory_space<hbm>>
    %dma_start3A_5 = arith.constant 0 : i32
    %dma_start3A_6 = tpu.memref_slice %arg7[%dma_start3A_5] : memref<512xi32, #tpu.memory_space<vmem>> -> memref<64xi32, #tpu.memory_space<vmem>>
    %dma_start3A_7 = tpu.memref_slice %arg2[%mul3A_2] : memref<16384xi32, #tpu.memory_space<hbm>> -> memref<64xi32, #tpu.memory_space<hbm>>
    tpu.enqueue_dma source(%dma_start3A_7 : memref<64xi32, #tpu.memory_space<hbm>>) target(%dma_start3A_6 : memref<64xi32, #tpu.memory_space<vmem>>) target_semaphore(%arg15 : memref<!tpu.dma_semaphore, #tpu.memory_space<semaphore_mem>>)
    %dma_start3A_8 = arith.constant 0 : i32
    %dma_start3A_9 = tpu.memref_slice %arg8[%dma_start3A_8] : memref<512xi32, #tpu.memory_space<vmem>> -> memref<64xi32, #tpu.memory_space<vmem>>
    %dma_start3A_10 = tpu.memref_slice %arg3[%mul3A_2] : memref<16384xi32, #tpu.memory_space<hbm>> -> memref<64xi32, #tpu.memory_space<hbm>>
    %dma_start3A_11 = arith.constant 0 : i32
    %dma_start3A_12 = tpu.memref_slice %arg8[%dma_start3A_11] : memref<512xi32, #tpu.memory_space<vmem>> -> memref<64xi32, #tpu.memory_space<vmem>>
    %dma_start3A_13 = tpu.memref_slice %arg3[%mul3A_2] : memref<16384xi32, #tpu.memory_space<hbm>> -> memref<64xi32, #tpu.memory_space<hbm>>
    tpu.enqueue_dma source(%dma_start3A_13 : memref<64xi32, #tpu.memory_space<hbm>>) target(%dma_start3A_12 : memref<64xi32, #tpu.memory_space<vmem>>) target_semaphore(%arg15 : memref<!tpu.dma_semaphore, #tpu.memory_space<semaphore_mem>>)
    %dma_wait3A = arith.constant 0 : i32
    %dma_wait3A_14 = tpu.memref_slice %arg7[%dma_wait3A] : memref<512xi32, #tpu.memory_space<vmem>> -> memref<64xi32, #tpu.memory_space<vmem>>
    %dma_wait3A_15 = tpu.memref_slice %arg2[%mul3A_2] : memref<16384xi32, #tpu.memory_space<hbm>> -> memref<64xi32, #tpu.memory_space<hbm>>
    %dma_wait3A_16 = arith.constant 0 : i32
    %dma_wait3A_17 = tpu.memref_slice %arg7[%dma_wait3A_16] : memref<512xi32, #tpu.memory_space<vmem>> -> memref<64xi32, #tpu.memory_space<vmem>>
    %dma_wait3A_18 = tpu.memref_slice %arg2[%mul3A_2] : memref<16384xi32, #tpu.memory_space<hbm>> -> memref<64xi32, #tpu.memory_space<hbm>>
    tpu.wait_dma2 semaphore(%arg15 : memref<!tpu.dma_semaphore, #tpu.memory_space<semaphore_mem>>) src(%dma_wait3A_18 : memref<64xi32, #tpu.memory_space<hbm>>) dst(%dma_wait3A_17 : memref<64xi32, #tpu.memory_space<vmem>>)
    %dma_wait3A_19 = arith.constant 0 : i32
    %dma_wait3A_20 = tpu.memref_slice %arg8[%dma_wait3A_19] : memref<512xi32, #tpu.memory_space<vmem>> -> memref<64xi32, #tpu.memory_space<vmem>>
    %dma_wait3A_21 = tpu.memref_slice %arg3[%mul3A_2] : memref<16384xi32, #tpu.memory_space<hbm>> -> memref<64xi32, #tpu.memory_space<hbm>>
    %dma_wait3A_22 = arith.constant 0 : i32
    %dma_wait3A_23 = tpu.memref_slice %arg8[%dma_wait3A_22] : memref<512xi32, #tpu.memory_space<vmem>> -> memref<64xi32, #tpu.memory_space<vmem>>
    %dma_wait3A_24 = tpu.memref_slice %arg3[%mul3A_2] : memref<16384xi32, #tpu.memory_space<hbm>> -> memref<64xi32, #tpu.memory_space<hbm>>
    tpu.wait_dma2 semaphore(%arg15 : memref<!tpu.dma_semaphore, #tpu.memory_space<semaphore_mem>>) src(%dma_wait3A_24 : memref<64xi32, #tpu.memory_space<hbm>>) dst(%dma_wait3A_23 : memref<64xi32, #tpu.memory_space<vmem>>)
    %dma_start3A_25 = arith.constant 0 : i32
    %dma_start3A_26 = arith.constant 0 : i32
    %dma_start3A_27 = arith.constant 0 : i32
    %dma_start3A_28 = tpu.memref_slice %arg9[%dma_start3A_25, %dma_start3A_26, %dma_start3A_27] : memref<3x128x128xf32, #tpu.memory_space<vmem>> -> memref<1x64x128xf32, #tpu.memory_space<vmem>>
    %dma_start3A_29 = tpu.memref_squeeze %dma_start3A_28 : memref<1x64x128xf32, #tpu.memory_space<vmem>> -> memref<64x128xf32, #tpu.memory_space<vmem>>
    %dma_start3A_30 = arith.constant 0 : i32
    %dma_start3A_31 = tpu.memref_slice %arg7[%dma_start3A_30] : memref<512xi32, #tpu.memory_space<vmem>> -> memref<64xi32, #tpu.memory_space<vmem>>
    %dma_start3A_32 = arith.constant 0 : i32
    %dma_start3A_33 = arith.constant 0 : i32
    %dma_start3A_34 = tpu.memref_slice %arg4[%dma_start3A_32, %dma_start3A_33] : memref<100000x128xf32, #tpu.memory_space<hbm>> -> memref<100000x128xf32, #tpu.memory_space<hbm>>
    tpu.enqueue_indirect_dma source(%dma_start3A_34 : memref<100000x128xf32, #tpu.memory_space<hbm>>) target(%dma_start3A_29 : memref<64x128xf32, #tpu.memory_space<vmem>>) offsets(%dma_start3A_31 : memref<64xi32, #tpu.memory_space<vmem>>) semaphore(%arg12 : memref<!tpu.dma_semaphore, #tpu.memory_space<semaphore_mem>>)
    %dma_start3A_35 = arith.constant 0 : i32
    %dma_start3A_36 = arith.constant 0 : i32
    %dma_start3A_37 = arith.constant 0 : i32
    %dma_start3A_38 = tpu.memref_slice %arg10[%dma_start3A_35, %dma_start3A_36, %dma_start3A_37] : memref<3x128x128xf32, #tpu.memory_space<vmem>> -> memref<1x64x128xf32, #tpu.memory_space<vmem>>
    %dma_start3A_39 = tpu.memref_squeeze %dma_start3A_38 : memref<1x64x128xf32, #tpu.memory_space<vmem>> -> memref<64x128xf32, #tpu.memory_space<vmem>>
    %dma_start3A_40 = arith.constant 0 : i32
    %dma_start3A_41 = tpu.memref_slice %arg8[%dma_start3A_40] : memref<512xi32, #tpu.memory_space<vmem>> -> memref<64xi32, #tpu.memory_space<vmem>>
    %dma_start3A_42 = arith.constant 0 : i32
    %dma_start3A_43 = arith.constant 0 : i32
    %dma_start3A_44 = tpu.memref_slice %arg5[%dma_start3A_42, %dma_start3A_43] : memref<100000x128xf32, #tpu.memory_space<hbm>> -> memref<100000x128xf32, #tpu.memory_space<hbm>>
    tpu.enqueue_indirect_dma source(%dma_start3A_44 : memref<100000x128xf32, #tpu.memory_space<hbm>>) target(%dma_start3A_39 : memref<64x128xf32, #tpu.memory_space<vmem>>) offsets(%dma_start3A_41 : memref<64xi32, #tpu.memory_space<vmem>>) semaphore(%arg12 : memref<!tpu.dma_semaphore, #tpu.memory_space<semaphore_mem>>)
    %add3A_45 = arith.constant 64 : i32
    %add3A_46 = arith.addi %mul3A_2, %add3A_45 : i32
    %dma_start3A_47 = arith.constant 64 : i32
    %dma_start3A_48 = tpu.memref_slice %arg7[%dma_start3A_47] : memref<512xi32, #tpu.memory_space<vmem>> -> memref<448xi32, #tpu.memory_space<vmem>>
    %dma_start3A_49 = tpu.memref_slice %arg2[%add3A_46] : memref<16384xi32, #tpu.memory_space<hbm>> -> memref<448xi32, #tpu.memory_space<hbm>>
    %dma_start3A_50 = arith.constant 64 : i32
    %dma_start3A_51 = tpu.memref_slice %arg7[%dma_start3A_50] : memref<512xi32, #tpu.memory_space<vmem>> -> memref<448xi32, #tpu.memory_space<vmem>>
    %dma_start3A_52 = tpu.memref_slice %arg2[%add3A_46] : memref<16384xi32, #tpu.memory_space<hbm>> -> memref<448xi32, #tpu.memory_space<hbm>>
    tpu.enqueue_dma source(%dma_start3A_52 : memref<448xi32, #tpu.memory_space<hbm>>) target(%dma_start3A_51 : memref<448xi32, #tpu.memory_space<vmem>>) target_semaphore(%arg15 : memref<!tpu.dma_semaphore, #tpu.memory_space<semaphore_mem>>)
    %add3A_53 = arith.constant 64 : i32
    %add3A_54 = arith.addi %mul3A_2, %add3A_53 : i32
    %dma_start3A_55 = arith.constant 64 : i32
    %dma_start3A_56 = tpu.memref_slice %arg8[%dma_start3A_55] : memref<512xi32, #tpu.memory_space<vmem>> -> memref<448xi32, #tpu.memory_space<vmem>>
    %dma_start3A_57 = tpu.memref_slice %arg3[%add3A_54] : memref<16384xi32, #tpu.memory_space<hbm>> -> memref<448xi32, #tpu.memory_space<hbm>>
    %dma_start3A_58 = arith.constant 64 : i32
    %dma_start3A_59 = tpu.memref_slice %arg8[%dma_start3A_58] : memref<512xi32, #tpu.memory_space<vmem>> -> memref<448xi32, #tpu.memory_space<vmem>>
    %dma_start3A_60 = tpu.memref_slice %arg3[%add3A_54] : memref<16384xi32, #tpu.memory_space<hbm>> -> memref<448xi32, #tpu.memory_space<hbm>>
    tpu.enqueue_dma source(%dma_start3A_60 : memref<448xi32, #tpu.memory_space<hbm>>) target(%dma_start3A_59 : memref<448xi32, #tpu.memory_space<vmem>>) target_semaphore(%arg15 : memref<!tpu.dma_semaphore, #tpu.memory_space<semaphore_mem>>)
    %dma_wait3A_61 = arith.constant 64 : i32
    %dma_wait3A_62 = tpu.memref_slice %arg7[%dma_wait3A_61] : memref<512xi32, #tpu.memory_space<vmem>> -> memref<448xi32, #tpu.memory_space<vmem>>
    %dma_wait3A_63 = tpu.memref_slice %arg2[%add3A_46] : memref<16384xi32, #tpu.memory_space<hbm>> -> memref<448xi32, #tpu.memory_space<hbm>>
    %dma_wait3A_64 = arith.constant 64 : i32
    %dma_wait3A_65 = tpu.memref_slice %arg7[%dma_wait3A_64] : memref<512xi32, #tpu.memory_space<vmem>> -> memref<448xi32, #tpu.memory_space<vmem>>
    %dma_wait3A_66 = tpu.memref_slice %arg2[%add3A_46] : memref<16384xi32, #tpu.memory_space<hbm>> -> memref<448xi32, #tpu.memory_space<hbm>>
    tpu.wait_dma2 semaphore(%arg15 : memref<!tpu.dma_semaphore, #tpu.memory_space<semaphore_mem>>) src(%dma_wait3A_66 : memref<448xi32, #tpu.memory_space<hbm>>) dst(%dma_wait3A_65 : memref<448xi32, #tpu.memory_space<vmem>>)
    %dma_wait3A_67 = arith.constant 64 : i32
    %dma_wait3A_68 = tpu.memref_slice %arg8[%dma_wait3A_67] : memref<512xi32, #tpu.memory_space<vmem>> -> memref<448xi32, #tpu.memory_space<vmem>>
    %dma_wait3A_69 = tpu.memref_slice %arg3[%add3A_54] : memref<16384xi32, #tpu.memory_space<hbm>> -> memref<448xi32, #tpu.memory_space<hbm>>
    %dma_wait3A_70 = arith.constant 64 : i32
    %dma_wait3A_71 = tpu.memref_slice %arg8[%dma_wait3A_70] : memref<512xi32, #tpu.memory_space<vmem>> -> memref<448xi32, #tpu.memory_space<vmem>>
    %dma_wait3A_72 = tpu.memref_slice %arg3[%add3A_54] : memref<16384xi32, #tpu.memory_space<hbm>> -> memref<448xi32, #tpu.memory_space<hbm>>
    tpu.wait_dma2 semaphore(%arg15 : memref<!tpu.dma_semaphore, #tpu.memory_space<semaphore_mem>>) src(%dma_wait3A_72 : memref<448xi32, #tpu.memory_space<hbm>>) dst(%dma_wait3A_71 : memref<448xi32, #tpu.memory_space<vmem>>)
    %dma_start3A_73 = arith.constant 1 : i32
    %dma_start3A_74 = arith.constant 0 : i32
    %dma_start3A_75 = arith.constant 0 : i32
    %dma_start3A_76 = tpu.memref_slice %arg9[%dma_start3A_73, %dma_start3A_74, %dma_start3A_75] : memref<3x128x128xf32, #tpu.memory_space<vmem>> -> memref<1x64x128xf32, #tpu.memory_space<vmem>>
    %dma_start3A_77 = tpu.memref_squeeze %dma_start3A_76 : memref<1x64x128xf32, #tpu.memory_space<vmem>> -> memref<64x128xf32, #tpu.memory_space<vmem>>
    %dma_start3A_78 = arith.constant 64 : i32
    %dma_start3A_79 = tpu.memref_slice %arg7[%dma_start3A_78] : memref<512xi32, #tpu.memory_space<vmem>> -> memref<64xi32, #tpu.memory_space<vmem>>
    %dma_start3A_80 = arith.constant 0 : i32
    %dma_start3A_81 = arith.constant 0 : i32
    %dma_start3A_82 = tpu.memref_slice %arg4[%dma_start3A_80, %dma_start3A_81] : memref<100000x128xf32, #tpu.memory_space<hbm>> -> memref<100000x128xf32, #tpu.memory_space<hbm>>
    tpu.enqueue_indirect_dma source(%dma_start3A_82 : memref<100000x128xf32, #tpu.memory_space<hbm>>) target(%dma_start3A_77 : memref<64x128xf32, #tpu.memory_space<vmem>>) offsets(%dma_start3A_79 : memref<64xi32, #tpu.memory_space<vmem>>) semaphore(%arg13 : memref<!tpu.dma_semaphore, #tpu.memory_space<semaphore_mem>>)
    %dma_start3A_83 = arith.constant 1 : i32
    %dma_start3A_84 = arith.constant 0 : i32
    %dma_start3A_85 = arith.constant 0 : i32
    %dma_start3A_86 = tpu.memref_slice %arg10[%dma_start3A_83, %dma_start3A_84, %dma_start3A_85] : memref<3x128x128xf32, #tpu.memory_space<vmem>> -> memref<1x64x128xf32, #tpu.memory_space<vmem>>
    %dma_start3A_87 = tpu.memref_squeeze %dma_start3A_86 : memref<1x64x128xf32, #tpu.memory_space<vmem>> -> memref<64x128xf32, #tpu.memory_space<vmem>>
    %dma_start3A_88 = arith.constant 64 : i32
    %dma_start3A_89 = tpu.memref_slice %arg8[%dma_start3A_88] : memref<512xi32, #tpu.memory_space<vmem>> -> memref<64xi32, #tpu.memory_space<vmem>>
    %dma_start3A_90 = arith.constant 0 : i32
    %dma_start3A_91 = arith.constant 0 : i32
    %dma_start3A_92 = tpu.memref_slice %arg5[%dma_start3A_90, %dma_start3A_91] : memref<100000x128xf32, #tpu.memory_space<hbm>> -> memref<100000x128xf32, #tpu.memory_space<hbm>>
    tpu.enqueue_indirect_dma source(%dma_start3A_92 : memref<100000x128xf32, #tpu.memory_space<hbm>>) target(%dma_start3A_87 : memref<64x128xf32, #tpu.memory_space<vmem>>) offsets(%dma_start3A_89 : memref<64xi32, #tpu.memory_space<vmem>>) semaphore(%arg13 : memref<!tpu.dma_semaphore, #tpu.memory_space<semaphore_mem>>)
    %dma_start3A_93 = arith.constant 2 : i32
    %dma_start3A_94 = arith.constant 0 : i32
    %dma_start3A_95 = arith.constant 0 : i32
    %dma_start3A_96 = tpu.memref_slice %arg9[%dma_start3A_93, %dma_start3A_94, %dma_start3A_95] : memref<3x128x128xf32, #tpu.memory_space<vmem>> -> memref<1x128x128xf32, #tpu.memory_space<vmem>>
    %dma_start3A_97 = tpu.memref_squeeze %dma_start3A_96 : memref<1x128x128xf32, #tpu.memory_space<vmem>> -> memref<128x128xf32, #tpu.memory_space<vmem>>
    %dma_start3A_98 = arith.constant 128 : i32
    %dma_start3A_99 = tpu.memref_slice %arg7[%dma_start3A_98] : memref<512xi32, #tpu.memory_space<vmem>> -> memref<128xi32, #tpu.memory_space<vmem>>
    %dma_start3A_100 = arith.constant 0 : i32
    %dma_start3A_101 = arith.constant 0 : i32
    %dma_start3A_102 = tpu.memref_slice %arg4[%dma_start3A_100, %dma_start3A_101] : memref<100000x128xf32, #tpu.memory_space<hbm>> -> memref<100000x128xf32, #tpu.memory_space<hbm>>
    tpu.enqueue_indirect_dma source(%dma_start3A_102 : memref<100000x128xf32, #tpu.memory_space<hbm>>) target(%dma_start3A_97 : memref<128x128xf32, #tpu.memory_space<vmem>>) offsets(%dma_start3A_99 : memref<128xi32, #tpu.memory_space<vmem>>) semaphore(%arg14 : memref<!tpu.dma_semaphore, #tpu.memory_space<semaphore_mem>>)
    %dma_start3A_103 = arith.constant 2 : i32
    %dma_start3A_104 = arith.constant 0 : i32
    %dma_start3A_105 = arith.constant 0 : i32
    %dma_start3A_106 = tpu.memref_slice %arg10[%dma_start3A_103, %dma_start3A_104, %dma_start3A_105] : memref<3x128x128xf32, #tpu.memory_space<vmem>> -> memref<1x128x128xf32, #tpu.memory_space<vmem>>
    %dma_start3A_107 = tpu.memref_squeeze %dma_start3A_106 : memref<1x128x128xf32, #tpu.memory_space<vmem>> -> memref<128x128xf32, #tpu.memory_space<vmem>>
    %dma_start3A_108 = arith.constant 128 : i32
    %dma_start3A_109 = tpu.memref_slice %arg8[%dma_start3A_108] : memref<512xi32, #tpu.memory_space<vmem>> -> memref<128xi32, #tpu.memory_space<vmem>>
    %dma_start3A_110 = arith.constant 0 : i32
    %dma_start3A_111 = arith.constant 0 : i32
    %dma_start3A_112 = tpu.memref_slice %arg5[%dma_start3A_110, %dma_start3A_111] : memref<100000x128xf32, #tpu.memory_space<hbm>> -> memref<100000x128xf32, #tpu.memory_space<hbm>>
    tpu.enqueue_indirect_dma source(%dma_start3A_112 : memref<100000x128xf32, #tpu.memory_space<hbm>>) target(%dma_start3A_107 : memref<128x128xf32, #tpu.memory_space<vmem>>) offsets(%dma_start3A_109 : memref<128xi32, #tpu.memory_space<vmem>>) semaphore(%arg14 : memref<!tpu.dma_semaphore, #tpu.memory_space<semaphore_mem>>)
    %dma_wait3A_113 = arith.constant 0 : i32
    %dma_wait3A_114 = arith.constant 0 : i32
    %dma_wait3A_115 = arith.constant 0 : i32
    %dma_wait3A_116 = tpu.memref_slice %arg9[%dma_wait3A_113, %dma_wait3A_114, %dma_wait3A_115] : memref<3x128x128xf32, #tpu.memory_space<vmem>> -> memref<1x64x128xf32, #tpu.memory_space<vmem>>
    %dma_wait3A_117 = tpu.memref_squeeze %dma_wait3A_116 : memref<1x64x128xf32, #tpu.memory_space<vmem>> -> memref<64x128xf32, #tpu.memory_space<vmem>>
    %dma_wait3A_118 = arith.constant 0 : i32
    %dma_wait3A_119 = tpu.memref_slice %arg7[%dma_wait3A_118] : memref<512xi32, #tpu.memory_space<vmem>> -> memref<64xi32, #tpu.memory_space<vmem>>
    %dma_wait3A_120 = arith.constant 0 : i32
    %dma_wait3A_121 = arith.constant 0 : i32
    %dma_wait3A_122 = tpu.memref_slice %arg4[%dma_wait3A_120, %dma_wait3A_121] : memref<100000x128xf32, #tpu.memory_space<hbm>> -> memref<100000x128xf32, #tpu.memory_space<hbm>>
    tpu.wait_indirect_dma semaphore(%arg12 : memref<!tpu.dma_semaphore, #tpu.memory_space<semaphore_mem>>) src(%dma_wait3A_122 : memref<100000x128xf32, #tpu.memory_space<hbm>>) dst(%dma_wait3A_117 : memref<64x128xf32, #tpu.memory_space<vmem>>)
    %dma_wait3A_123 = arith.constant 0 : i32
    %dma_wait3A_124 = arith.constant 0 : i32
    %dma_wait3A_125 = arith.constant 0 : i32
    %dma_wait3A_126 = tpu.memref_slice %arg10[%dma_wait3A_123, %dma_wait3A_124, %dma_wait3A_125] : memref<3x128x128xf32, #tpu.memory_space<vmem>> -> memref<1x64x128xf32, #tpu.memory_space<vmem>>
    %dma_wait3A_127 = tpu.memref_squeeze %dma_wait3A_126 : memref<1x64x128xf32, #tpu.memory_space<vmem>> -> memref<64x128xf32, #tpu.memory_space<vmem>>
    %dma_wait3A_128 = arith.constant 0 : i32
    %dma_wait3A_129 = tpu.memref_slice %arg8[%dma_wait3A_128] : memref<512xi32, #tpu.memory_space<vmem>> -> memref<64xi32, #tpu.memory_space<vmem>>
    %dma_wait3A_130 = arith.constant 0 : i32
    %dma_wait3A_131 = arith.constant 0 : i32
    %dma_wait3A_132 = tpu.memref_slice %arg5[%dma_wait3A_130, %dma_wait3A_131] : memref<100000x128xf32, #tpu.memory_space<hbm>> -> memref<100000x128xf32, #tpu.memory_space<hbm>>
    tpu.wait_indirect_dma semaphore(%arg12 : memref<!tpu.dma_semaphore, #tpu.memory_space<semaphore_mem>>) src(%dma_wait3A_132 : memref<100000x128xf32, #tpu.memory_space<hbm>>) dst(%dma_wait3A_127 : memref<64x128xf32, #tpu.memory_space<vmem>>)
    %iota3A = tpu.iota {dimensions = array<i32: 0>} : vector<16xi32>
    %xor3A = arith.constant 8 : i32
    %xor3A_133 = vector.broadcast %xor3A : i32 to vector<16xi32>
    %xor3A_134 = arith.xori %iota3A, %xor3A_133 : vector<16xi32>
    %xor3A_135 = arith.constant 4 : i32
    %xor3A_136 = vector.broadcast %xor3A_135 : i32 to vector<16xi32>
    %xor3A_137 = arith.xori %iota3A, %xor3A_136 : vector<16xi32>
    %xor3A_138 = arith.constant 2 : i32
    %xor3A_139 = vector.broadcast %xor3A_138 : i32 to vector<16xi32>
    %xor3A_140 = arith.xori %iota3A, %xor3A_139 : vector<16xi32>
    %xor3A_141 = arith.constant 1 : i32
    %xor3A_142 = vector.broadcast %xor3A_141 : i32 to vector<16xi32>
    %xor3A_143 = arith.xori %iota3A, %xor3A_142 : vector<16xi32>
    %eq3A = arith.constant 0 : i32
    %eq3A_144 = vector.broadcast %eq3A : i32 to vector<16xi32>
    %eq3A_145 = arith.cmpi eq, %iota3A, %eq3A_144 : vector<16xi32>
    %parallel_loop3A = arith.constant 0 : i32
    %parallel_loop3A_146 = arith.constant 64 : i32
    %parallel_loop3A_147 = arith.constant 1 : i32
    scf.for %parallel_loop3A_414 = %parallel_loop3A to %parallel_loop3A_146 step %parallel_loop3A_147  : i32 {
      %parallel_loop3A_415 = arith.constant 0 : i32
      %parallel_loop3A_416 = arith.index_cast %parallel_loop3A_415 : i32 to index
      %parallel_loop3A_417 = arith.index_cast %parallel_loop3A_414 : i32 to index
      %parallel_loop3A_418 = arith.constant 0 : index
      %parallel_loop3A_419 = tpu.vector_load %arg9[%parallel_loop3A_416, %parallel_loop3A_417, %parallel_loop3A_418] {strides = array<i32>} : memref<3x128x128xf32, #tpu.memory_space<vmem>>, vector<16xf32>,
      %parallel_loop3A_420 = arith.constant 0 : i32
      %parallel_loop3A_421 = arith.index_cast %parallel_loop3A_420 : i32 to index
      %parallel_loop3A_422 = arith.index_cast %parallel_loop3A_414 : i32 to index
      %parallel_loop3A_423 = arith.constant 0 : index
      %parallel_loop3A_424 = tpu.vector_load %arg10[%parallel_loop3A_421, %parallel_loop3A_422, %parallel_loop3A_423] {strides = array<i32>} : memref<3x128x128xf32, #tpu.memory_space<vmem>>, vector<16xf32>,
      %parallel_loop3A_425 = arith.mulf %parallel_loop3A_419, %parallel_loop3A_424 : vector<16xf32>
      %parallel_loop3A_426 = arith.constant 0 : i32
      %parallel_loop3A_427 = arith.index_cast %parallel_loop3A_426 : i32 to index
      %parallel_loop3A_428 = arith.index_cast %parallel_loop3A_414 : i32 to index
      %parallel_loop3A_429 = arith.constant 16 : index
      %parallel_loop3A_430 = tpu.vector_load %arg9[%parallel_loop3A_427, %parallel_loop3A_428, %parallel_loop3A_429] {strides = array<i32>} : memref<3x128x128xf32, #tpu.memory_space<vmem>>, vector<16xf32>,
      %parallel_loop3A_431 = arith.constant 0 : i32
      %parallel_loop3A_432 = arith.index_cast %parallel_loop3A_431 : i32 to index
      %parallel_loop3A_433 = arith.index_cast %parallel_loop3A_414 : i32 to index
      %parallel_loop3A_434 = arith.constant 16 : index
      %parallel_loop3A_435 = tpu.vector_load %arg10[%parallel_loop3A_432, %parallel_loop3A_433, %parallel_loop3A_434] {strides = array<i32>} : memref<3x128x128xf32, #tpu.memory_space<vmem>>, vector<16xf32>,
      %parallel_loop3A_436 = arith.mulf %parallel_loop3A_430, %parallel_loop3A_435 : vector<16xf32>
      %parallel_loop3A_437 = arith.addf %parallel_loop3A_425, %parallel_loop3A_436 : vector<16xf32>
      %parallel_loop3A_438 = arith.constant 0 : i32
      %parallel_loop3A_439 = arith.index_cast %parallel_loop3A_438 : i32 to index
      %parallel_loop3A_440 = arith.index_cast %parallel_loop3A_414 : i32 to index
      %parallel_loop3A_441 = arith.constant 32 : index
      %parallel_loop3A_442 = tpu.vector_load %arg9[%parallel_loop3A_439, %parallel_loop3A_440, %parallel_loop3A_441] {strides = array<i32>} : memref<3x128x128xf32, #tpu.memory_space<vmem>>, vector<16xf32>,
      %parallel_loop3A_443 = arith.constant 0 : i32
      %parallel_loop3A_444 = arith.index_cast %parallel_loop3A_443 : i32 to index
      %parallel_loop3A_445 = arith.index_cast %parallel_loop3A_414 : i32 to index
      %parallel_loop3A_446 = arith.constant 32 : index
      %parallel_loop3A_447 = tpu.vector_load %arg10[%parallel_loop3A_444, %parallel_loop3A_445, %parallel_loop3A_446] {strides = array<i32>} : memref<3x128x128xf32, #tpu.memory_space<vmem>>, vector<16xf32>,
      %parallel_loop3A_448 = arith.mulf %parallel_loop3A_442, %parallel_loop3A_447 : vector<16xf32>
      %parallel_loop3A_449 = arith.addf %parallel_loop3A_437, %parallel_loop3A_448 : vector<16xf32>
      %parallel_loop3A_450 = arith.constant 0 : i32
      %parallel_loop3A_451 = arith.index_cast %parallel_loop3A_450 : i32 to index
      %parallel_loop3A_452 = arith.index_cast %parallel_loop3A_414 : i32 to index
      %parallel_loop3A_453 = arith.constant 48 : index
      %parallel_loop3A_454 = tpu.vector_load %arg9[%parallel_loop3A_451, %parallel_loop3A_452, %parallel_loop3A_453] {strides = array<i32>} : memref<3x128x128xf32, #tpu.memory_space<vmem>>, vector<16xf32>,
      %parallel_loop3A_455 = arith.constant 0 : i32
      %parallel_loop3A_456 = arith.index_cast %parallel_loop3A_455 : i32 to index
      %parallel_loop3A_457 = arith.index_cast %parallel_loop3A_414 : i32 to index
      %parallel_loop3A_458 = arith.constant 48 : index
      %parallel_loop3A_459 = tpu.vector_load %arg10[%parallel_loop3A_456, %parallel_loop3A_457, %parallel_loop3A_458] {strides = array<i32>} : memref<3x128x128xf32, #tpu.memory_space<vmem>>, vector<16xf32>,
      %parallel_loop3A_460 = arith.mulf %parallel_loop3A_454, %parallel_loop3A_459 : vector<16xf32>
      %parallel_loop3A_461 = arith.addf %parallel_loop3A_449, %parallel_loop3A_460 : vector<16xf32>
      %parallel_loop3A_462 = arith.constant 0 : i32
      %parallel_loop3A_463 = arith.index_cast %parallel_loop3A_462 : i32 to index
      %parallel_loop3A_464 = arith.index_cast %parallel_loop3A_414 : i32 to index
      %parallel_loop3A_465 = arith.constant 64 : index
      %parallel_loop3A_466 = tpu.vector_load %arg9[%parallel_loop3A_463, %parallel_loop3A_464, %parallel_loop3A_465] {strides = array<i32>} : memref<3x128x128xf32, #tpu.memory_space<vmem>>, vector<16xf32>,
      %parallel_loop3A_467 = arith.constant 0 : i32
      %parallel_loop3A_468 = arith.index_cast %parallel_loop3A_467 : i32 to index
      %parallel_loop3A_469 = arith.index_cast %parallel_loop3A_414 : i32 to index
      %parallel_loop3A_470 = arith.constant 64 : index
      %parallel_loop3A_471 = tpu.vector_load %arg10[%parallel_loop3A_468, %parallel_loop3A_469, %parallel_loop3A_470] {strides = array<i32>} : memref<3x128x128xf32, #tpu.memory_space<vmem>>, vector<16xf32>,
      %parallel_loop3A_472 = arith.mulf %parallel_loop3A_466, %parallel_loop3A_471 : vector<16xf32>
      %parallel_loop3A_473 = arith.addf %parallel_loop3A_461, %parallel_loop3A_472 : vector<16xf32>
      %parallel_loop3A_474 = arith.constant 0 : i32
      %parallel_loop3A_475 = arith.index_cast %parallel_loop3A_474 : i32 to index
      %parallel_loop3A_476 = arith.index_cast %parallel_loop3A_414 : i32 to index
      %parallel_loop3A_477 = arith.constant 80 : index
      %parallel_loop3A_478 = tpu.vector_load %arg9[%parallel_loop3A_475, %parallel_loop3A_476, %parallel_loop3A_477] {strides = array<i32>} : memref<3x128x128xf32, #tpu.memory_space<vmem>>, vector<16xf32>,
      %parallel_loop3A_479 = arith.constant 0 : i32
      %parallel_loop3A_480 = arith.index_cast %parallel_loop3A_479 : i32 to index
      %parallel_loop3A_481 = arith.index_cast %parallel_loop3A_414 : i32 to index
      %parallel_loop3A_482 = arith.constant 80 : index
      %parallel_loop3A_483 = tpu.vector_load %arg10[%parallel_loop3A_480, %parallel_loop3A_481, %parallel_loop3A_482] {strides = array<i32>} : memref<3x128x128xf32, #tpu.memory_space<vmem>>, vector<16xf32>,
      %parallel_loop3A_484 = arith.mulf %parallel_loop3A_478, %parallel_loop3A_483 : vector<16xf32>
      %parallel_loop3A_485 = arith.addf %parallel_loop3A_473, %parallel_loop3A_484 : vector<16xf32>
      %parallel_loop3A_486 = arith.constant 0 : i32
      %parallel_loop3A_487 = arith.index_cast %parallel_loop3A_486 : i32 to index
      %parallel_loop3A_488 = arith.index_cast %parallel_loop3A_414 : i32 to index
      %parallel_loop3A_489 = arith.constant 96 : index
      %parallel_loop3A_490 = tpu.vector_load %arg9[%parallel_loop3A_487, %parallel_loop3A_488, %parallel_loop3A_489] {strides = array<i32>} : memref<3x128x128xf32, #tpu.memory_space<vmem>>, vector<16xf32>,
      %parallel_loop3A_491 = arith.constant 0 : i32
      %parallel_loop3A_492 = arith.index_cast %parallel_loop3A_491 : i32 to index
      %parallel_loop3A_493 = arith.index_cast %parallel_loop3A_414 : i32 to index
      %parallel_loop3A_494 = arith.constant 96 : index
      %parallel_loop3A_495 = tpu.vector_load %arg10[%parallel_loop3A_492, %parallel_loop3A_493, %parallel_loop3A_494] {strides = array<i32>} : memref<3x128x128xf32, #tpu.memory_space<vmem>>, vector<16xf32>,
      %parallel_loop3A_496 = arith.mulf %parallel_loop3A_490, %parallel_loop3A_495 : vector<16xf32>
      %parallel_loop3A_497 = arith.addf %parallel_loop3A_485, %parallel_loop3A_496 : vector<16xf32>
      %parallel_loop3A_498 = arith.constant 0 : i32
      %parallel_loop3A_499 = arith.index_cast %parallel_loop3A_498 : i32 to index
      %parallel_loop3A_500 = arith.index_cast %parallel_loop3A_414 : i32 to index
      %parallel_loop3A_501 = arith.constant 112 : index
      %parallel_loop3A_502 = tpu.vector_load %arg9[%parallel_loop3A_499, %parallel_loop3A_500, %parallel_loop3A_501] {strides = array<i32>} : memref<3x128x128xf32, #tpu.memory_space<vmem>>, vector<16xf32>,
      %parallel_loop3A_503 = arith.constant 0 : i32
      %parallel_loop3A_504 = arith.index_cast %parallel_loop3A_503 : i32 to index
      %parallel_loop3A_505 = arith.index_cast %parallel_loop3A_414 : i32 to index
      %parallel_loop3A_506 = arith.constant 112 : index
      %parallel_loop3A_507 = tpu.vector_load %arg10[%parallel_loop3A_504, %parallel_loop3A_505, %parallel_loop3A_506] {strides = array<i32>} : memref<3x128x128xf32, #tpu.memory_space<vmem>>, vector<16xf32>,
      %parallel_loop3A_508 = arith.mulf %parallel_loop3A_502, %parallel_loop3A_507 : vector<16xf32>
      %parallel_loop3A_509 = arith.addf %parallel_loop3A_497, %parallel_loop3A_508 : vector<16xf32>
      %parallel_loop3A_510 = vector.shape_cast %xor3A_134 : vector<16xi32> to vector<16x1xi32>
      %parallel_loop3A_511 = vector.shape_cast %parallel_loop3A_510 : vector<16x1xi32> to vector<16xi32>
      %parallel_loop3A_512 = tpu.dynamic_gather %parallel_loop3A_509[%parallel_loop3A_511] in [0] : vector<16xf32>, vector<16xi32> -> vector<16xf32>
      %parallel_loop3A_513 = arith.addf %parallel_loop3A_509, %parallel_loop3A_512 : vector<16xf32>
      %parallel_loop3A_514 = vector.shape_cast %xor3A_137 : vector<16xi32> to vector<16x1xi32>
      %parallel_loop3A_515 = vector.shape_cast %parallel_loop3A_514 : vector<16x1xi32> to vector<16xi32>
      %parallel_loop3A_516 = tpu.dynamic_gather %parallel_loop3A_513[%parallel_loop3A_515] in [0] : vector<16xf32>, vector<16xi32> -> vector<16xf32>
      %parallel_loop3A_517 = arith.addf %parallel_loop3A_513, %parallel_loop3A_516 : vector<16xf32>
      %parallel_loop3A_518 = vector.shape_cast %xor3A_140 : vector<16xi32> to vector<16x1xi32>
      %parallel_loop3A_519 = vector.shape_cast %parallel_loop3A_518 : vector<16x1xi32> to vector<16xi32>
      %parallel_loop3A_520 = tpu.dynamic_gather %parallel_loop3A_517[%parallel_loop3A_519] in [0] : vector<16xf32>, vector<16xi32> -> vector<16xf32>
      %parallel_loop3A_521 = arith.addf %parallel_loop3A_517, %parallel_loop3A_520 : vector<16xf32>
      %parallel_loop3A_522 = vector.shape_cast %xor3A_143 : vector<16xi32> to vector<16x1xi32>
      %parallel_loop3A_523 = vector.shape_cast %parallel_loop3A_522 : vector<16x1xi32> to vector<16xi32>
      %parallel_loop3A_524 = tpu.dynamic_gather %parallel_loop3A_521[%parallel_loop3A_523] in [0] : vector<16xf32>, vector<16xi32> -> vector<16xf32>
      %parallel_loop3A_525 = arith.addf %parallel_loop3A_521, %parallel_loop3A_524 : vector<16xf32>
      %parallel_loop3A_526 = arith.constant 0 : i32
      %parallel_loop3A_527 = arith.addi %parallel_loop3A_526, %parallel_loop3A_414 : i32
      %parallel_loop3A_528 = vector.broadcast %parallel_loop3A_527 : i32 to vector<16xi32>
      %parallel_loop3A_529 = arith.addi %iota3A, %parallel_loop3A_528 : vector<16xi32>
      tpu.vector_store_idx %arg11[%parallel_loop3A_529], %parallel_loop3A_525 masked %eq3A_145 : memref<512xf32, #tpu.memory_space<vmem>>[vector<16xi32>], vector<16xf32>, vector<16xi1>
    } {sc.loop_unroll_factor = 1 : i64, sc.parallel_access}
    %add3A_148 = arith.constant 0 : i32
    %add3A_149 = arith.addi %mul3A_2, %add3A_148 : i32
    %dma_start3A_150 = arith.constant 0 : i32
    %dma_start3A_151 = tpu.memref_slice %arg11[%dma_start3A_150] : memref<512xf32, #tpu.memory_space<vmem>> -> memref<64xf32, #tpu.memory_space<vmem>>
    %dma_start3A_152 = tpu.memref_slice %arg6[%add3A_149] : memref<16384xf32, #tpu.memory_space<hbm>> -> memref<64xf32, #tpu.memory_space<hbm>>
    %dma_start3A_153 = tpu.memref_slice %arg6[%add3A_149] : memref<16384xf32, #tpu.memory_space<hbm>> -> memref<64xf32, #tpu.memory_space<hbm>>
    %dma_start3A_154 = arith.constant 0 : i32
    %dma_start3A_155 = tpu.memref_slice %arg11[%dma_start3A_154] : memref<512xf32, #tpu.memory_space<vmem>> -> memref<64xf32, #tpu.memory_space<vmem>>
    tpu.enqueue_dma source(%dma_start3A_155 : memref<64xf32, #tpu.memory_space<vmem>>) target(%dma_start3A_153 : memref<64xf32, #tpu.memory_space<hbm>>) target_semaphore(%arg15 : memref<!tpu.dma_semaphore, #tpu.memory_space<semaphore_mem>>)
    %dma_start3A_156 = arith.constant 0 : i32
    %dma_start3A_157 = arith.constant 0 : i32
    %dma_start3A_158 = arith.constant 0 : i32
    %dma_start3A_159 = tpu.memref_slice %arg9[%dma_start3A_156, %dma_start3A_157, %dma_start3A_158] : memref<3x128x128xf32, #tpu.memory_space<vmem>> -> memref<1x128x128xf32, #tpu.memory_space<vmem>>
    %dma_start3A_160 = tpu.memref_squeeze %dma_start3A_159 : memref<1x128x128xf32, #tpu.memory_space<vmem>> -> memref<128x128xf32, #tpu.memory_space<vmem>>
    %dma_start3A_161 = arith.constant 256 : i32
    %dma_start3A_162 = tpu.memref_slice %arg7[%dma_start3A_161] : memref<512xi32, #tpu.memory_space<vmem>> -> memref<128xi32, #tpu.memory_space<vmem>>
    %dma_start3A_163 = arith.constant 0 : i32
    %dma_start3A_164 = arith.constant 0 : i32
    %dma_start3A_165 = tpu.memref_slice %arg4[%dma_start3A_163, %dma_start3A_164] : memref<100000x128xf32, #tpu.memory_space<hbm>> -> memref<100000x128xf32, #tpu.memory_space<hbm>>
    tpu.enqueue_indirect_dma source(%dma_start3A_165 : memref<100000x128xf32, #tpu.memory_space<hbm>>) target(%dma_start3A_160 : memref<128x128xf32, #tpu.memory_space<vmem>>) offsets(%dma_start3A_162 : memref<128xi32, #tpu.memory_space<vmem>>) semaphore(%arg12 : memref<!tpu.dma_semaphore, #tpu.memory_space<semaphore_mem>>)
    %dma_start3A_166 = arith.constant 0 : i32
    %dma_start3A_167 = arith.constant 0 : i32
    %dma_start3A_168 = arith.constant 0 : i32
    %dma_start3A_169 = tpu.memref_slice %arg10[%dma_start3A_166, %dma_start3A_167, %dma_start3A_168] : memref<3x128x128xf32, #tpu.memory_space<vmem>> -> memref<1x128x128xf32, #tpu.memory_space<vmem>>
    %dma_start3A_170 = tpu.memref_squeeze %dma_start3A_169 : memref<1x128x128xf32, #tpu.memory_space<vmem>> -> memref<128x128xf32, #tpu.memory_space<vmem>>
    %dma_start3A_171 = arith.constant 256 : i32
    %dma_start3A_172 = tpu.memref_slice %arg8[%dma_start3A_171] : memref<512xi32, #tpu.memory_space<vmem>> -> memref<128xi32, #tpu.memory_space<vmem>>
    %dma_start3A_173 = arith.constant 0 : i32
    %dma_start3A_174 = arith.constant 0 : i32
    %dma_start3A_175 = tpu.memref_slice %arg5[%dma_start3A_173, %dma_start3A_174] : memref<100000x128xf32, #tpu.memory_space<hbm>> -> memref<100000x128xf32, #tpu.memory_space<hbm>>
    tpu.enqueue_indirect_dma source(%dma_start3A_175 : memref<100000x128xf32, #tpu.memory_space<hbm>>) target(%dma_start3A_170 : memref<128x128xf32, #tpu.memory_space<vmem>>) offsets(%dma_start3A_172 : memref<128xi32, #tpu.memory_space<vmem>>) semaphore(%arg12 : memref<!tpu.dma_semaphore, #tpu.memory_space<semaphore_mem>>)
    %dma_wait3A_176 = arith.constant 1 : i32
    %dma_wait3A_177 = arith.constant 0 : i32
    %dma_wait3A_178 = arith.constant 0 : i32
    %dma_wait3A_179 = tpu.memref_slice %arg9[%dma_wait3A_176, %dma_wait3A_177, %dma_wait3A_178] : memref<3x128x128xf32, #tpu.memory_space<vmem>> -> memref<1x64x128xf32, #tpu.memory_space<vmem>>
    %dma_wait3A_180 = tpu.memref_squeeze %dma_wait3A_179 : memref<1x64x128xf32, #tpu.memory_space<vmem>> -> memref<64x128xf32, #tpu.memory_space<vmem>>
    %dma_wait3A_181 = arith.constant 64 : i32
    %dma_wait3A_182 = tpu.memref_slice %arg7[%dma_wait3A_181] : memref<512xi32, #tpu.memory_space<vmem>> -> memref<64xi32, #tpu.memory_space<vmem>>
    %dma_wait3A_183 = arith.constant 0 : i32
    %dma_wait3A_184 = arith.constant 0 : i32
    %dma_wait3A_185 = tpu.memref_slice %arg4[%dma_wait3A_183, %dma_wait3A_184] : memref<100000x128xf32, #tpu.memory_space<hbm>> -> memref<100000x128xf32, #tpu.memory_space<hbm>>
    tpu.wait_indirect_dma semaphore(%arg13 : memref<!tpu.dma_semaphore, #tpu.memory_space<semaphore_mem>>) src(%dma_wait3A_185 : memref<100000x128xf32, #tpu.memory_space<hbm>>) dst(%dma_wait3A_180 : memref<64x128xf32, #tpu.memory_space<vmem>>)
    %dma_wait3A_186 = arith.constant 1 : i32
    %dma_wait3A_187 = arith.constant 0 : i32
    %dma_wait3A_188 = arith.constant 0 : i32
    %dma_wait3A_189 = tpu.memref_slice %arg10[%dma_wait3A_186, %dma_wait3A_187, %dma_wait3A_188] : memref<3x128x128xf32, #tpu.memory_space<vmem>> -> memref<1x64x128xf32, #tpu.memory_space<vmem>>
    %dma_wait3A_190 = tpu.memref_squeeze %dma_wait3A_189 : memref<1x64x128xf32, #tpu.memory_space<vmem>> -> memref<64x128xf32, #tpu.memory_space<vmem>>
    %dma_wait3A_191 = arith.constant 64 : i32
    %dma_wait3A_192 = tpu.memref_slice %arg8[%dma_wait3A_191] : memref<512xi32, #tpu.memory_space<vmem>> -> memref<64xi32, #tpu.memory_space<vmem>>
    %dma_wait3A_193 = arith.constant 0 : i32
    %dma_wait3A_194 = arith.constant 0 : i32
    %dma_wait3A_195 = tpu.memref_slice %arg5[%dma_wait3A_193, %dma_wait3A_194] : memref<100000x128xf32, #tpu.memory_space<hbm>> -> memref<100000x128xf32, #tpu.memory_space<hbm>>
    tpu.wait_indirect_dma semaphore(%arg13 : memref<!tpu.dma_semaphore, #tpu.memory_space<semaphore_mem>>) src(%dma_wait3A_195 : memref<100000x128xf32, #tpu.memory_space<hbm>>) dst(%dma_wait3A_190 : memref<64x128xf32, #tpu.memory_space<vmem>>)
    %iota3A_196 = tpu.iota {dimensions = array<i32: 0>} : vector<16xi32>
    %xor3A_197 = arith.constant 8 : i32
    %xor3A_198 = vector.broadcast %xor3A_197 : i32 to vector<16xi32>
    %xor3A_199 = arith.xori %iota3A_196, %xor3A_198 : vector<16xi32>
    %xor3A_200 = arith.constant 4 : i32
    %xor3A_201 = vector.broadcast %xor3A_200 : i32 to vector<16xi32>
    %xor3A_202 = arith.xori %iota3A_196, %xor3A_201 : vector<16xi32>
    %xor3A_203 = arith.constant 2 : i32
    %xor3A_204 = vector.broadcast %xor3A_203 : i32 to vector<16xi32>
    %xor3A_205 = arith.xori %iota3A_196, %xor3A_204 : vector<16xi32>
    %xor3A_206 = arith.constant 1 : i32
    %xor3A_207 = vector.broadcast %xor3A_206 : i32 to vector<16xi32>
    %xor3A_208 = arith.xori %iota3A_196, %xor3A_207 : vector<16xi32>
    %eq3A_209 = arith.constant 0 : i32
    %eq3A_210 = vector.broadcast %eq3A_209 : i32 to vector<16xi32>
    %eq3A_211 = arith.cmpi eq, %iota3A_196, %eq3A_210 : vector<16xi32>
    %parallel_loop3A_212 = arith.constant 0 : i32
    %parallel_loop3A_213 = arith.constant 64 : i32
    %parallel_loop3A_214 = arith.constant 1 : i32
    scf.for %parallel_loop3A_414 = %parallel_loop3A_212 to %parallel_loop3A_213 step %parallel_loop3A_214  : i32 {
      %parallel_loop3A_415 = arith.constant 1 : i32
      %parallel_loop3A_416 = arith.index_cast %parallel_loop3A_415 : i32 to index
      %parallel_loop3A_417 = arith.index_cast %parallel_loop3A_414 : i32 to index
      %parallel_loop3A_418 = arith.constant 0 : index
      %parallel_loop3A_419 = tpu.vector_load %arg9[%parallel_loop3A_416, %parallel_loop3A_417, %parallel_loop3A_418] {strides = array<i32>} : memref<3x128x128xf32, #tpu.memory_space<vmem>>, vector<16xf32>,
      %parallel_loop3A_420 = arith.constant 1 : i32
      %parallel_loop3A_421 = arith.index_cast %parallel_loop3A_420 : i32 to index
      %parallel_loop3A_422 = arith.index_cast %parallel_loop3A_414 : i32 to index
      %parallel_loop3A_423 = arith.constant 0 : index
      %parallel_loop3A_424 = tpu.vector_load %arg10[%parallel_loop3A_421, %parallel_loop3A_422, %parallel_loop3A_423] {strides = array<i32>} : memref<3x128x128xf32, #tpu.memory_space<vmem>>, vector<16xf32>,
      %parallel_loop3A_425 = arith.mulf %parallel_loop3A_419, %parallel_loop3A_424 : vector<16xf32>
      %parallel_loop3A_426 = arith.constant 1 : i32
      %parallel_loop3A_427 = arith.index_cast %parallel_loop3A_426 : i32 to index
      %parallel_loop3A_428 = arith.index_cast %parallel_loop3A_414 : i32 to index
      %parallel_loop3A_429 = arith.constant 16 : index
      %parallel_loop3A_430 = tpu.vector_load %arg9[%parallel_loop3A_427, %parallel_loop3A_428, %parallel_loop3A_429] {strides = array<i32>} : memref<3x128x128xf32, #tpu.memory_space<vmem>>, vector<16xf32>,
      %parallel_loop3A_431 = arith.constant 1 : i32
      %parallel_loop3A_432 = arith.index_cast %parallel_loop3A_431 : i32 to index
      %parallel_loop3A_433 = arith.index_cast %parallel_loop3A_414 : i32 to index
      %parallel_loop3A_434 = arith.constant 16 : index
      %parallel_loop3A_435 = tpu.vector_load %arg10[%parallel_loop3A_432, %parallel_loop3A_433, %parallel_loop3A_434] {strides = array<i32>} : memref<3x128x128xf32, #tpu.memory_space<vmem>>, vector<16xf32>,
      %parallel_loop3A_436 = arith.mulf %parallel_loop3A_430, %parallel_loop3A_435 : vector<16xf32>
      %parallel_loop3A_437 = arith.addf %parallel_loop3A_425, %parallel_loop3A_436 : vector<16xf32>
      %parallel_loop3A_438 = arith.constant 1 : i32
      %parallel_loop3A_439 = arith.index_cast %parallel_loop3A_438 : i32 to index
      %parallel_loop3A_440 = arith.index_cast %parallel_loop3A_414 : i32 to index
      %parallel_loop3A_441 = arith.constant 32 : index
      %parallel_loop3A_442 = tpu.vector_load %arg9[%parallel_loop3A_439, %parallel_loop3A_440, %parallel_loop3A_441] {strides = array<i32>} : memref<3x128x128xf32, #tpu.memory_space<vmem>>, vector<16xf32>,
      %parallel_loop3A_443 = arith.constant 1 : i32
      %parallel_loop3A_444 = arith.index_cast %parallel_loop3A_443 : i32 to index
      %parallel_loop3A_445 = arith.index_cast %parallel_loop3A_414 : i32 to index
      %parallel_loop3A_446 = arith.constant 32 : index
      %parallel_loop3A_447 = tpu.vector_load %arg10[%parallel_loop3A_444, %parallel_loop3A_445, %parallel_loop3A_446] {strides = array<i32>} : memref<3x128x128xf32, #tpu.memory_space<vmem>>, vector<16xf32>,
      %parallel_loop3A_448 = arith.mulf %parallel_loop3A_442, %parallel_loop3A_447 : vector<16xf32>
      %parallel_loop3A_449 = arith.addf %parallel_loop3A_437, %parallel_loop3A_448 : vector<16xf32>
      %parallel_loop3A_450 = arith.constant 1 : i32
      %parallel_loop3A_451 = arith.index_cast %parallel_loop3A_450 : i32 to index
      %parallel_loop3A_452 = arith.index_cast %parallel_loop3A_414 : i32 to index
      %parallel_loop3A_453 = arith.constant 48 : index
      %parallel_loop3A_454 = tpu.vector_load %arg9[%parallel_loop3A_451, %parallel_loop3A_452, %parallel_loop3A_453] {strides = array<i32>} : memref<3x128x128xf32, #tpu.memory_space<vmem>>, vector<16xf32>,
      %parallel_loop3A_455 = arith.constant 1 : i32
      %parallel_loop3A_456 = arith.index_cast %parallel_loop3A_455 : i32 to index
      %parallel_loop3A_457 = arith.index_cast %parallel_loop3A_414 : i32 to index
      %parallel_loop3A_458 = arith.constant 48 : index
      %parallel_loop3A_459 = tpu.vector_load %arg10[%parallel_loop3A_456, %parallel_loop3A_457, %parallel_loop3A_458] {strides = array<i32>} : memref<3x128x128xf32, #tpu.memory_space<vmem>>, vector<16xf32>,
      %parallel_loop3A_460 = arith.mulf %parallel_loop3A_454, %parallel_loop3A_459 : vector<16xf32>
      %parallel_loop3A_461 = arith.addf %parallel_loop3A_449, %parallel_loop3A_460 : vector<16xf32>
      %parallel_loop3A_462 = arith.constant 1 : i32
      %parallel_loop3A_463 = arith.index_cast %parallel_loop3A_462 : i32 to index
      %parallel_loop3A_464 = arith.index_cast %parallel_loop3A_414 : i32 to index
      %parallel_loop3A_465 = arith.constant 64 : index
      %parallel_loop3A_466 = tpu.vector_load %arg9[%parallel_loop3A_463, %parallel_loop3A_464, %parallel_loop3A_465] {strides = array<i32>} : memref<3x128x128xf32, #tpu.memory_space<vmem>>, vector<16xf32>,
      %parallel_loop3A_467 = arith.constant 1 : i32
      %parallel_loop3A_468 = arith.index_cast %parallel_loop3A_467 : i32 to index
      %parallel_loop3A_469 = arith.index_cast %parallel_loop3A_414 : i32 to index
      %parallel_loop3A_470 = arith.constant 64 : index
      %parallel_loop3A_471 = tpu.vector_load %arg10[%parallel_loop3A_468, %parallel_loop3A_469, %parallel_loop3A_470] {strides = array<i32>} : memref<3x128x128xf32, #tpu.memory_space<vmem>>, vector<16xf32>,
      %parallel_loop3A_472 = arith.mulf %parallel_loop3A_466, %parallel_loop3A_471 : vector<16xf32>
      %parallel_loop3A_473 = arith.addf %parallel_loop3A_461, %parallel_loop3A_472 : vector<16xf32>
      %parallel_loop3A_474 = arith.constant 1 : i32
      %parallel_loop3A_475 = arith.index_cast %parallel_loop3A_474 : i32 to index
      %parallel_loop3A_476 = arith.index_cast %parallel_loop3A_414 : i32 to index
      %parallel_loop3A_477 = arith.constant 80 : index
      %parallel_loop3A_478 = tpu.vector_load %arg9[%parallel_loop3A_475, %parallel_loop3A_476, %parallel_loop3A_477] {strides = array<i32>} : memref<3x128x128xf32, #tpu.memory_space<vmem>>, vector<16xf32>,
      %parallel_loop3A_479 = arith.constant 1 : i32
      %parallel_loop3A_480 = arith.index_cast %parallel_loop3A_479 : i32 to index
      %parallel_loop3A_481 = arith.index_cast %parallel_loop3A_414 : i32 to index
      %parallel_loop3A_482 = arith.constant 80 : index
      %parallel_loop3A_483 = tpu.vector_load %arg10[%parallel_loop3A_480, %parallel_loop3A_481, %parallel_loop3A_482] {strides = array<i32>} : memref<3x128x128xf32, #tpu.memory_space<vmem>>, vector<16xf32>,
      %parallel_loop3A_484 = arith.mulf %parallel_loop3A_478, %parallel_loop3A_483 : vector<16xf32>
      %parallel_loop3A_485 = arith.addf %parallel_loop3A_473, %parallel_loop3A_484 : vector<16xf32>
      %parallel_loop3A_486 = arith.constant 1 : i32
      %parallel_loop3A_487 = arith.index_cast %parallel_loop3A_486 : i32 to index
      %parallel_loop3A_488 = arith.index_cast %parallel_loop3A_414 : i32 to index
      %parallel_loop3A_489 = arith.constant 96 : index
      %parallel_loop3A_490 = tpu.vector_load %arg9[%parallel_loop3A_487, %parallel_loop3A_488, %parallel_loop3A_489] {strides = array<i32>} : memref<3x128x128xf32, #tpu.memory_space<vmem>>, vector<16xf32>,
      %parallel_loop3A_491 = arith.constant 1 : i32
      %parallel_loop3A_492 = arith.index_cast %parallel_loop3A_491 : i32 to index
      %parallel_loop3A_493 = arith.index_cast %parallel_loop3A_414 : i32 to index
      %parallel_loop3A_494 = arith.constant 96 : index
      %parallel_loop3A_495 = tpu.vector_load %arg10[%parallel_loop3A_492, %parallel_loop3A_493, %parallel_loop3A_494] {strides = array<i32>} : memref<3x128x128xf32, #tpu.memory_space<vmem>>, vector<16xf32>,
      %parallel_loop3A_496 = arith.mulf %parallel_loop3A_490, %parallel_loop3A_495 : vector<16xf32>
      %parallel_loop3A_497 = arith.addf %parallel_loop3A_485, %parallel_loop3A_496 : vector<16xf32>
      %parallel_loop3A_498 = arith.constant 1 : i32
      %parallel_loop3A_499 = arith.index_cast %parallel_loop3A_498 : i32 to index
      %parallel_loop3A_500 = arith.index_cast %parallel_loop3A_414 : i32 to index
      %parallel_loop3A_501 = arith.constant 112 : index
      %parallel_loop3A_502 = tpu.vector_load %arg9[%parallel_loop3A_499, %parallel_loop3A_500, %parallel_loop3A_501] {strides = array<i32>} : memref<3x128x128xf32, #tpu.memory_space<vmem>>, vector<16xf32>,
      %parallel_loop3A_503 = arith.constant 1 : i32
      %parallel_loop3A_504 = arith.index_cast %parallel_loop3A_503 : i32 to index
      %parallel_loop3A_505 = arith.index_cast %parallel_loop3A_414 : i32 to index
      %parallel_loop3A_506 = arith.constant 112 : index
      %parallel_loop3A_507 = tpu.vector_load %arg10[%parallel_loop3A_504, %parallel_loop3A_505, %parallel_loop3A_506] {strides = array<i32>} : memref<3x128x128xf32, #tpu.memory_space<vmem>>, vector<16xf32>,
      %parallel_loop3A_508 = arith.mulf %parallel_loop3A_502, %parallel_loop3A_507 : vector<16xf32>
      %parallel_loop3A_509 = arith.addf %parallel_loop3A_497, %parallel_loop3A_508 : vector<16xf32>
      %parallel_loop3A_510 = vector.shape_cast %xor3A_199 : vector<16xi32> to vector<16x1xi32>
      %parallel_loop3A_511 = vector.shape_cast %parallel_loop3A_510 : vector<16x1xi32> to vector<16xi32>
      %parallel_loop3A_512 = tpu.dynamic_gather %parallel_loop3A_509[%parallel_loop3A_511] in [0] : vector<16xf32>, vector<16xi32> -> vector<16xf32>
      %parallel_loop3A_513 = arith.addf %parallel_loop3A_509, %parallel_loop3A_512 : vector<16xf32>
      %parallel_loop3A_514 = vector.shape_cast %xor3A_202 : vector<16xi32> to vector<16x1xi32>
      %parallel_loop3A_515 = vector.shape_cast %parallel_loop3A_514 : vector<16x1xi32> to vector<16xi32>
      %parallel_loop3A_516 = tpu.dynamic_gather %parallel_loop3A_513[%parallel_loop3A_515] in [0] : vector<16xf32>, vector<16xi32> -> vector<16xf32>
      %parallel_loop3A_517 = arith.addf %parallel_loop3A_513, %parallel_loop3A_516 : vector<16xf32>
      %parallel_loop3A_518 = vector.shape_cast %xor3A_205 : vector<16xi32> to vector<16x1xi32>
      %parallel_loop3A_519 = vector.shape_cast %parallel_loop3A_518 : vector<16x1xi32> to vector<16xi32>
      %parallel_loop3A_520 = tpu.dynamic_gather %parallel_loop3A_517[%parallel_loop3A_519] in [0] : vector<16xf32>, vector<16xi32> -> vector<16xf32>
      %parallel_loop3A_521 = arith.addf %parallel_loop3A_517, %parallel_loop3A_520 : vector<16xf32>
      %parallel_loop3A_522 = vector.shape_cast %xor3A_208 : vector<16xi32> to vector<16x1xi32>
      %parallel_loop3A_523 = vector.shape_cast %parallel_loop3A_522 : vector<16x1xi32> to vector<16xi32>
      %parallel_loop3A_524 = tpu.dynamic_gather %parallel_loop3A_521[%parallel_loop3A_523] in [0] : vector<16xf32>, vector<16xi32> -> vector<16xf32>
      %parallel_loop3A_525 = arith.addf %parallel_loop3A_521, %parallel_loop3A_524 : vector<16xf32>
      %parallel_loop3A_526 = arith.constant 64 : i32
      %parallel_loop3A_527 = arith.addi %parallel_loop3A_526, %parallel_loop3A_414 : i32
      %parallel_loop3A_528 = vector.broadcast %parallel_loop3A_527 : i32 to vector<16xi32>
      %parallel_loop3A_529 = arith.addi %iota3A_196, %parallel_loop3A_528 : vector<16xi32>
      tpu.vector_store_idx %arg11[%parallel_loop3A_529], %parallel_loop3A_525 masked %eq3A_211 : memref<512xf32, #tpu.memory_space<vmem>>[vector<16xi32>], vector<16xf32>, vector<16xi1>
    } {sc.loop_unroll_factor = 1 : i64, sc.parallel_access}
    %dma_wait3A_215 = arith.constant 0 : i32
    %dma_wait3A_216 = tpu.memref_slice %arg11[%dma_wait3A_215] : memref<512xf32, #tpu.memory_space<vmem>> -> memref<64xf32, #tpu.memory_space<vmem>>
    %dma_wait3A_217 = tpu.memref_slice %arg6[%add3A_149] : memref<16384xf32, #tpu.memory_space<hbm>> -> memref<64xf32, #tpu.memory_space<hbm>>
    %dma_wait3A_218 = tpu.memref_slice %arg6[%add3A_149] : memref<16384xf32, #tpu.memory_space<hbm>> -> memref<64xf32, #tpu.memory_space<hbm>>
    %dma_wait3A_219 = arith.constant 0 : i32
    %dma_wait3A_220 = tpu.memref_slice %arg11[%dma_wait3A_219] : memref<512xf32, #tpu.memory_space<vmem>> -> memref<64xf32, #tpu.memory_space<vmem>>
    tpu.wait_dma2 semaphore(%arg15 : memref<!tpu.dma_semaphore, #tpu.memory_space<semaphore_mem>>) src(%dma_wait3A_220 : memref<64xf32, #tpu.memory_space<vmem>>) dst(%dma_wait3A_218 : memref<64xf32, #tpu.memory_space<hbm>>)
    %add3A_221 = arith.constant 64 : i32
    %add3A_222 = arith.addi %mul3A_2, %add3A_221 : i32
    %dma_start3A_223 = arith.constant 64 : i32
    %dma_start3A_224 = tpu.memref_slice %arg11[%dma_start3A_223] : memref<512xf32, #tpu.memory_space<vmem>> -> memref<64xf32, #tpu.memory_space<vmem>>
    %dma_start3A_225 = tpu.memref_slice %arg6[%add3A_222] : memref<16384xf32, #tpu.memory_space<hbm>> -> memref<64xf32, #tpu.memory_space<hbm>>
    %dma_start3A_226 = tpu.memref_slice %arg6[%add3A_222] : memref<16384xf32, #tpu.memory_space<hbm>> -> memref<64xf32, #tpu.memory_space<hbm>>
    %dma_start3A_227 = arith.constant 64 : i32
    %dma_start3A_228 = tpu.memref_slice %arg11[%dma_start3A_227] : memref<512xf32, #tpu.memory_space<vmem>> -> memref<64xf32, #tpu.memory_space<vmem>>
    tpu.enqueue_dma source(%dma_start3A_228 : memref<64xf32, #tpu.memory_space<vmem>>) target(%dma_start3A_226 : memref<64xf32, #tpu.memory_space<hbm>>) target_semaphore(%arg15 : memref<!tpu.dma_semaphore, #tpu.memory_space<semaphore_mem>>)
    %dma_start3A_229 = arith.constant 1 : i32
    %dma_start3A_230 = arith.constant 0 : i32
    %dma_start3A_231 = arith.constant 0 : i32
    %dma_start3A_232 = tpu.memref_slice %arg9[%dma_start3A_229, %dma_start3A_230, %dma_start3A_231] : memref<3x128x128xf32, #tpu.memory_space<vmem>> -> memref<1x128x128xf32, #tpu.memory_space<vmem>>
    %dma_start3A_233 = tpu.memref_squeeze %dma_start3A_232 : memref<1x128x128xf32, #tpu.memory_space<vmem>> -> memref<128x128xf32, #tpu.memory_space<vmem>>
    %dma_start3A_234 = arith.constant 384 : i32
    %dma_start3A_235 = tpu.memref_slice %arg7[%dma_start3A_234] : memref<512xi32, #tpu.memory_space<vmem>> -> memref<128xi32, #tpu.memory_space<vmem>>
    %dma_start3A_236 = arith.constant 0 : i32
    %dma_start3A_237 = arith.constant 0 : i32
    %dma_start3A_238 = tpu.memref_slice %arg4[%dma_start3A_236, %dma_start3A_237] : memref<100000x128xf32, #tpu.memory_space<hbm>> -> memref<100000x128xf32, #tpu.memory_space<hbm>>
    tpu.enqueue_indirect_dma source(%dma_start3A_238 : memref<100000x128xf32, #tpu.memory_space<hbm>>) target(%dma_start3A_233 : memref<128x128xf32, #tpu.memory_space<vmem>>) offsets(%dma_start3A_235 : memref<128xi32, #tpu.memory_space<vmem>>) semaphore(%arg13 : memref<!tpu.dma_semaphore, #tpu.memory_space<semaphore_mem>>)
    %dma_start3A_239 = arith.constant 1 : i32
    %dma_start3A_240 = arith.constant 0 : i32
    %dma_start3A_241 = arith.constant 0 : i32
    %dma_start3A_242 = tpu.memref_slice %arg10[%dma_start3A_239, %dma_start3A_240, %dma_start3A_241] : memref<3x128x128xf32, #tpu.memory_space<vmem>> -> memref<1x128x128xf32, #tpu.memory_space<vmem>>
    %dma_start3A_243 = tpu.memref_squeeze %dma_start3A_242 : memref<1x128x128xf32, #tpu.memory_space<vmem>> -> memref<128x128xf32, #tpu.memory_space<vmem>>
    %dma_start3A_244 = arith.constant 384 : i32
    %dma_start3A_245 = tpu.memref_slice %arg8[%dma_start3A_244] : memref<512xi32, #tpu.memory_space<vmem>> -> memref<128xi32, #tpu.memory_space<vmem>>
    %dma_start3A_246 = arith.constant 0 : i32
    %dma_start3A_247 = arith.constant 0 : i32
    %dma_start3A_248 = tpu.memref_slice %arg5[%dma_start3A_246, %dma_start3A_247] : memref<100000x128xf32, #tpu.memory_space<hbm>> -> memref<100000x128xf32, #tpu.memory_space<hbm>>
    tpu.enqueue_indirect_dma source(%dma_start3A_248 : memref<100000x128xf32, #tpu.memory_space<hbm>>) target(%dma_start3A_243 : memref<128x128xf32, #tpu.memory_space<vmem>>) offsets(%dma_start3A_245 : memref<128xi32, #tpu.memory_space<vmem>>) semaphore(%arg13 : memref<!tpu.dma_semaphore, #tpu.memory_space<semaphore_mem>>)
    %dma_wait3A_249 = arith.constant 2 : i32
    %dma_wait3A_250 = arith.constant 0 : i32
    %dma_wait3A_251 = arith.constant 0 : i32
    %dma_wait3A_252 = tpu.memref_slice %arg9[%dma_wait3A_249, %dma_wait3A_250, %dma_wait3A_251] : memref<3x128x128xf32, #tpu.memory_space<vmem>> -> memref<1x128x128xf32, #tpu.memory_space<vmem>>
    %dma_wait3A_253 = tpu.memref_squeeze %dma_wait3A_252 : memref<1x128x128xf32, #tpu.memory_space<vmem>> -> memref<128x128xf32, #tpu.memory_space<vmem>>
    %dma_wait3A_254 = arith.constant 128 : i32
    %dma_wait3A_255 = tpu.memref_slice %arg7[%dma_wait3A_254] : memref<512xi32, #tpu.memory_space<vmem>> -> memref<128xi32, #tpu.memory_space<vmem>>
    %dma_wait3A_256 = arith.constant 0 : i32
    %dma_wait3A_257 = arith.constant 0 : i32
    %dma_wait3A_258 = tpu.memref_slice %arg4[%dma_wait3A_256, %dma_wait3A_257] : memref<100000x128xf32, #tpu.memory_space<hbm>> -> memref<100000x128xf32, #tpu.memory_space<hbm>>
    tpu.wait_indirect_dma semaphore(%arg14 : memref<!tpu.dma_semaphore, #tpu.memory_space<semaphore_mem>>) src(%dma_wait3A_258 : memref<100000x128xf32, #tpu.memory_space<hbm>>) dst(%dma_wait3A_253 : memref<128x128xf32, #tpu.memory_space<vmem>>)
    %dma_wait3A_259 = arith.constant 2 : i32
    %dma_wait3A_260 = arith.constant 0 : i32
    %dma_wait3A_261 = arith.constant 0 : i32
    %dma_wait3A_262 = tpu.memref_slice %arg10[%dma_wait3A_259, %dma_wait3A_260, %dma_wait3A_261] : memref<3x128x128xf32, #tpu.memory_space<vmem>> -> memref<1x128x128xf32, #tpu.memory_space<vmem>>
    %dma_wait3A_263 = tpu.memref_squeeze %dma_wait3A_262 : memref<1x128x128xf32, #tpu.memory_space<vmem>> -> memref<128x128xf32, #tpu.memory_space<vmem>>
    %dma_wait3A_264 = arith.constant 128 : i32
    %dma_wait3A_265 = tpu.memref_slice %arg8[%dma_wait3A_264] : memref<512xi32, #tpu.memory_space<vmem>> -> memref<128xi32, #tpu.memory_space<vmem>>
    %dma_wait3A_266 = arith.constant 0 : i32
    %dma_wait3A_267 = arith.constant 0 : i32
    %dma_wait3A_268 = tpu.memref_slice %arg5[%dma_wait3A_266, %dma_wait3A_267] : memref<100000x128xf32, #tpu.memory_space<hbm>> -> memref<100000x128xf32, #tpu.memory_space<hbm>>
    tpu.wait_indirect_dma semaphore(%arg14 : memref<!tpu.dma_semaphore, #tpu.memory_space<semaphore_mem>>) src(%dma_wait3A_268 : memref<100000x128xf32, #tpu.memory_space<hbm>>) dst(%dma_wait3A_263 : memref<128x128xf32, #tpu.memory_space<vmem>>)
    %iota3A_269 = tpu.iota {dimensions = array<i32: 0>} : vector<16xi32>
    %xor3A_270 = arith.constant 8 : i32
    %xor3A_271 = vector.broadcast %xor3A_270 : i32 to vector<16xi32>
    %xor3A_272 = arith.xori %iota3A_269, %xor3A_271 : vector<16xi32>
    %xor3A_273 = arith.constant 4 : i32
    %xor3A_274 = vector.broadcast %xor3A_273 : i32 to vector<16xi32>
    %xor3A_275 = arith.xori %iota3A_269, %xor3A_274 : vector<16xi32>
    %xor3A_276 = arith.constant 2 : i32
    %xor3A_277 = vector.broadcast %xor3A_276 : i32 to vector<16xi32>
    %xor3A_278 = arith.xori %iota3A_269, %xor3A_277 : vector<16xi32>
    %xor3A_279 = arith.constant 1 : i32
    %xor3A_280 = vector.broadcast %xor3A_279 : i32 to vector<16xi32>
    %xor3A_281 = arith.xori %iota3A_269, %xor3A_280 : vector<16xi32>
    %eq3A_282 = arith.constant 0 : i32
    %eq3A_283 = vector.broadcast %eq3A_282 : i32 to vector<16xi32>
    %eq3A_284 = arith.cmpi eq, %iota3A_269, %eq3A_283 : vector<16xi32>
    %parallel_loop3A_285 = arith.constant 0 : i32
    %parallel_loop3A_286 = arith.constant 128 : i32
    %parallel_loop3A_287 = arith.constant 1 : i32
    scf.for %parallel_loop3A_414 = %parallel_loop3A_285 to %parallel_loop3A_286 step %parallel_loop3A_287  : i32 {
      %parallel_loop3A_415 = arith.constant 2 : i32
      %parallel_loop3A_416 = arith.index_cast %parallel_loop3A_415 : i32 to index
      %parallel_loop3A_417 = arith.index_cast %parallel_loop3A_414 : i32 to index
      %parallel_loop3A_418 = arith.constant 0 : index
      %parallel_loop3A_419 = tpu.vector_load %arg9[%parallel_loop3A_416, %parallel_loop3A_417, %parallel_loop3A_418] {strides = array<i32>} : memref<3x128x128xf32, #tpu.memory_space<vmem>>, vector<16xf32>,
      %parallel_loop3A_420 = arith.constant 2 : i32
      %parallel_loop3A_421 = arith.index_cast %parallel_loop3A_420 : i32 to index
      %parallel_loop3A_422 = arith.index_cast %parallel_loop3A_414 : i32 to index
      %parallel_loop3A_423 = arith.constant 0 : index
      %parallel_loop3A_424 = tpu.vector_load %arg10[%parallel_loop3A_421, %parallel_loop3A_422, %parallel_loop3A_423] {strides = array<i32>} : memref<3x128x128xf32, #tpu.memory_space<vmem>>, vector<16xf32>,
      %parallel_loop3A_425 = arith.mulf %parallel_loop3A_419, %parallel_loop3A_424 : vector<16xf32>
      %parallel_loop3A_426 = arith.constant 2 : i32
      %parallel_loop3A_427 = arith.index_cast %parallel_loop3A_426 : i32 to index
      %parallel_loop3A_428 = arith.index_cast %parallel_loop3A_414 : i32 to index
      %parallel_loop3A_429 = arith.constant 16 : index
      %parallel_loop3A_430 = tpu.vector_load %arg9[%parallel_loop3A_427, %parallel_loop3A_428, %parallel_loop3A_429] {strides = array<i32>} : memref<3x128x128xf32, #tpu.memory_space<vmem>>, vector<16xf32>,
      %parallel_loop3A_431 = arith.constant 2 : i32
      %parallel_loop3A_432 = arith.index_cast %parallel_loop3A_431 : i32 to index
      %parallel_loop3A_433 = arith.index_cast %parallel_loop3A_414 : i32 to index
      %parallel_loop3A_434 = arith.constant 16 : index
      %parallel_loop3A_435 = tpu.vector_load %arg10[%parallel_loop3A_432, %parallel_loop3A_433, %parallel_loop3A_434] {strides = array<i32>} : memref<3x128x128xf32, #tpu.memory_space<vmem>>, vector<16xf32>,
      %parallel_loop3A_436 = arith.mulf %parallel_loop3A_430, %parallel_loop3A_435 : vector<16xf32>
      %parallel_loop3A_437 = arith.addf %parallel_loop3A_425, %parallel_loop3A_436 : vector<16xf32>
      %parallel_loop3A_438 = arith.constant 2 : i32
      %parallel_loop3A_439 = arith.index_cast %parallel_loop3A_438 : i32 to index
      %parallel_loop3A_440 = arith.index_cast %parallel_loop3A_414 : i32 to index
      %parallel_loop3A_441 = arith.constant 32 : index
      %parallel_loop3A_442 = tpu.vector_load %arg9[%parallel_loop3A_439, %parallel_loop3A_440, %parallel_loop3A_441] {strides = array<i32>} : memref<3x128x128xf32, #tpu.memory_space<vmem>>, vector<16xf32>,
      %parallel_loop3A_443 = arith.constant 2 : i32
      %parallel_loop3A_444 = arith.index_cast %parallel_loop3A_443 : i32 to index
      %parallel_loop3A_445 = arith.index_cast %parallel_loop3A_414 : i32 to index
      %parallel_loop3A_446 = arith.constant 32 : index
      %parallel_loop3A_447 = tpu.vector_load %arg10[%parallel_loop3A_444, %parallel_loop3A_445, %parallel_loop3A_446] {strides = array<i32>} : memref<3x128x128xf32, #tpu.memory_space<vmem>>, vector<16xf32>,
      %parallel_loop3A_448 = arith.mulf %parallel_loop3A_442, %parallel_loop3A_447 : vector<16xf32>
      %parallel_loop3A_449 = arith.addf %parallel_loop3A_437, %parallel_loop3A_448 : vector<16xf32>
      %parallel_loop3A_450 = arith.constant 2 : i32
      %parallel_loop3A_451 = arith.index_cast %parallel_loop3A_450 : i32 to index
      %parallel_loop3A_452 = arith.index_cast %parallel_loop3A_414 : i32 to index
      %parallel_loop3A_453 = arith.constant 48 : index
      %parallel_loop3A_454 = tpu.vector_load %arg9[%parallel_loop3A_451, %parallel_loop3A_452, %parallel_loop3A_453] {strides = array<i32>} : memref<3x128x128xf32, #tpu.memory_space<vmem>>, vector<16xf32>,
      %parallel_loop3A_455 = arith.constant 2 : i32
      %parallel_loop3A_456 = arith.index_cast %parallel_loop3A_455 : i32 to index
      %parallel_loop3A_457 = arith.index_cast %parallel_loop3A_414 : i32 to index
      %parallel_loop3A_458 = arith.constant 48 : index
      %parallel_loop3A_459 = tpu.vector_load %arg10[%parallel_loop3A_456, %parallel_loop3A_457, %parallel_loop3A_458] {strides = array<i32>} : memref<3x128x128xf32, #tpu.memory_space<vmem>>, vector<16xf32>,
      %parallel_loop3A_460 = arith.mulf %parallel_loop3A_454, %parallel_loop3A_459 : vector<16xf32>
      %parallel_loop3A_461 = arith.addf %parallel_loop3A_449, %parallel_loop3A_460 : vector<16xf32>
      %parallel_loop3A_462 = arith.constant 2 : i32
      %parallel_loop3A_463 = arith.index_cast %parallel_loop3A_462 : i32 to index
      %parallel_loop3A_464 = arith.index_cast %parallel_loop3A_414 : i32 to index
      %parallel_loop3A_465 = arith.constant 64 : index
      %parallel_loop3A_466 = tpu.vector_load %arg9[%parallel_loop3A_463, %parallel_loop3A_464, %parallel_loop3A_465] {strides = array<i32>} : memref<3x128x128xf32, #tpu.memory_space<vmem>>, vector<16xf32>,
      %parallel_loop3A_467 = arith.constant 2 : i32
      %parallel_loop3A_468 = arith.index_cast %parallel_loop3A_467 : i32 to index
      %parallel_loop3A_469 = arith.index_cast %parallel_loop3A_414 : i32 to index
      %parallel_loop3A_470 = arith.constant 64 : index
      %parallel_loop3A_471 = tpu.vector_load %arg10[%parallel_loop3A_468, %parallel_loop3A_469, %parallel_loop3A_470] {strides = array<i32>} : memref<3x128x128xf32, #tpu.memory_space<vmem>>, vector<16xf32>,
      %parallel_loop3A_472 = arith.mulf %parallel_loop3A_466, %parallel_loop3A_471 : vector<16xf32>
      %parallel_loop3A_473 = arith.addf %parallel_loop3A_461, %parallel_loop3A_472 : vector<16xf32>
      %parallel_loop3A_474 = arith.constant 2 : i32
      %parallel_loop3A_475 = arith.index_cast %parallel_loop3A_474 : i32 to index
      %parallel_loop3A_476 = arith.index_cast %parallel_loop3A_414 : i32 to index
      %parallel_loop3A_477 = arith.constant 80 : index
      %parallel_loop3A_478 = tpu.vector_load %arg9[%parallel_loop3A_475, %parallel_loop3A_476, %parallel_loop3A_477] {strides = array<i32>} : memref<3x128x128xf32, #tpu.memory_space<vmem>>, vector<16xf32>,
      %parallel_loop3A_479 = arith.constant 2 : i32
      %parallel_loop3A_480 = arith.index_cast %parallel_loop3A_479 : i32 to index
      %parallel_loop3A_481 = arith.index_cast %parallel_loop3A_414 : i32 to index
      %parallel_loop3A_482 = arith.constant 80 : index
      %parallel_loop3A_483 = tpu.vector_load %arg10[%parallel_loop3A_480, %parallel_loop3A_481, %parallel_loop3A_482] {strides = array<i32>} : memref<3x128x128xf32, #tpu.memory_space<vmem>>, vector<16xf32>,
      %parallel_loop3A_484 = arith.mulf %parallel_loop3A_478, %parallel_loop3A_483 : vector<16xf32>
      %parallel_loop3A_485 = arith.addf %parallel_loop3A_473, %parallel_loop3A_484 : vector<16xf32>
      %parallel_loop3A_486 = arith.constant 2 : i32
      %parallel_loop3A_487 = arith.index_cast %parallel_loop3A_486 : i32 to index
      %parallel_loop3A_488 = arith.index_cast %parallel_loop3A_414 : i32 to index
      %parallel_loop3A_489 = arith.constant 96 : index
      %parallel_loop3A_490 = tpu.vector_load %arg9[%parallel_loop3A_487, %parallel_loop3A_488, %parallel_loop3A_489] {strides = array<i32>} : memref<3x128x128xf32, #tpu.memory_space<vmem>>, vector<16xf32>,
      %parallel_loop3A_491 = arith.constant 2 : i32
      %parallel_loop3A_492 = arith.index_cast %parallel_loop3A_491 : i32 to index
      %parallel_loop3A_493 = arith.index_cast %parallel_loop3A_414 : i32 to index
      %parallel_loop3A_494 = arith.constant 96 : index
      %parallel_loop3A_495 = tpu.vector_load %arg10[%parallel_loop3A_492, %parallel_loop3A_493, %parallel_loop3A_494] {strides = array<i32>} : memref<3x128x128xf32, #tpu.memory_space<vmem>>, vector<16xf32>,
      %parallel_loop3A_496 = arith.mulf %parallel_loop3A_490, %parallel_loop3A_495 : vector<16xf32>
      %parallel_loop3A_497 = arith.addf %parallel_loop3A_485, %parallel_loop3A_496 : vector<16xf32>
      %parallel_loop3A_498 = arith.constant 2 : i32
      %parallel_loop3A_499 = arith.index_cast %parallel_loop3A_498 : i32 to index
      %parallel_loop3A_500 = arith.index_cast %parallel_loop3A_414 : i32 to index
      %parallel_loop3A_501 = arith.constant 112 : index
      %parallel_loop3A_502 = tpu.vector_load %arg9[%parallel_loop3A_499, %parallel_loop3A_500, %parallel_loop3A_501] {strides = array<i32>} : memref<3x128x128xf32, #tpu.memory_space<vmem>>, vector<16xf32>,
      %parallel_loop3A_503 = arith.constant 2 : i32
      %parallel_loop3A_504 = arith.index_cast %parallel_loop3A_503 : i32 to index
      %parallel_loop3A_505 = arith.index_cast %parallel_loop3A_414 : i32 to index
      %parallel_loop3A_506 = arith.constant 112 : index
      %parallel_loop3A_507 = tpu.vector_load %arg10[%parallel_loop3A_504, %parallel_loop3A_505, %parallel_loop3A_506] {strides = array<i32>} : memref<3x128x128xf32, #tpu.memory_space<vmem>>, vector<16xf32>,
      %parallel_loop3A_508 = arith.mulf %parallel_loop3A_502, %parallel_loop3A_507 : vector<16xf32>
      %parallel_loop3A_509 = arith.addf %parallel_loop3A_497, %parallel_loop3A_508 : vector<16xf32>
      %parallel_loop3A_510 = vector.shape_cast %xor3A_272 : vector<16xi32> to vector<16x1xi32>
      %parallel_loop3A_511 = vector.shape_cast %parallel_loop3A_510 : vector<16x1xi32> to vector<16xi32>
      %parallel_loop3A_512 = tpu.dynamic_gather %parallel_loop3A_509[%parallel_loop3A_511] in [0] : vector<16xf32>, vector<16xi32> -> vector<16xf32>
      %parallel_loop3A_513 = arith.addf %parallel_loop3A_509, %parallel_loop3A_512 : vector<16xf32>
      %parallel_loop3A_514 = vector.shape_cast %xor3A_275 : vector<16xi32> to vector<16x1xi32>
      %parallel_loop3A_515 = vector.shape_cast %parallel_loop3A_514 : vector<16x1xi32> to vector<16xi32>
      %parallel_loop3A_516 = tpu.dynamic_gather %parallel_loop3A_513[%parallel_loop3A_515] in [0] : vector<16xf32>, vector<16xi32> -> vector<16xf32>
      %parallel_loop3A_517 = arith.addf %parallel_loop3A_513, %parallel_loop3A_516 : vector<16xf32>
      %parallel_loop3A_518 = vector.shape_cast %xor3A_278 : vector<16xi32> to vector<16x1xi32>
      %parallel_loop3A_519 = vector.shape_cast %parallel_loop3A_518 : vector<16x1xi32> to vector<16xi32>
      %parallel_loop3A_520 = tpu.dynamic_gather %parallel_loop3A_517[%parallel_loop3A_519] in [0] : vector<16xf32>, vector<16xi32> -> vector<16xf32>
      %parallel_loop3A_521 = arith.addf %parallel_loop3A_517, %parallel_loop3A_520 : vector<16xf32>
      %parallel_loop3A_522 = vector.shape_cast %xor3A_281 : vector<16xi32> to vector<16x1xi32>
      %parallel_loop3A_523 = vector.shape_cast %parallel_loop3A_522 : vector<16x1xi32> to vector<16xi32>
      %parallel_loop3A_524 = tpu.dynamic_gather %parallel_loop3A_521[%parallel_loop3A_523] in [0] : vector<16xf32>, vector<16xi32> -> vector<16xf32>
      %parallel_loop3A_525 = arith.addf %parallel_loop3A_521, %parallel_loop3A_524 : vector<16xf32>
      %parallel_loop3A_526 = arith.constant 128 : i32
      %parallel_loop3A_527 = arith.addi %parallel_loop3A_526, %parallel_loop3A_414 : i32
      %parallel_loop3A_528 = vector.broadcast %parallel_loop3A_527 : i32 to vector<16xi32>
      %parallel_loop3A_529 = arith.addi %iota3A_269, %parallel_loop3A_528 : vector<16xi32>
      tpu.vector_store_idx %arg11[%parallel_loop3A_529], %parallel_loop3A_525 masked %eq3A_284 : memref<512xf32, #tpu.memory_space<vmem>>[vector<16xi32>], vector<16xf32>, vector<16xi1>
    } {sc.loop_unroll_factor = 1 : i64, sc.parallel_access}
    %dma_wait3A_288 = arith.constant 64 : i32
    %dma_wait3A_289 = tpu.memref_slice %arg11[%dma_wait3A_288] : memref<512xf32, #tpu.memory_space<vmem>> -> memref<64xf32, #tpu.memory_space<vmem>>
    %dma_wait3A_290 = tpu.memref_slice %arg6[%add3A_222] : memref<16384xf32, #tpu.memory_space<hbm>> -> memref<64xf32, #tpu.memory_space<hbm>>
    %dma_wait3A_291 = tpu.memref_slice %arg6[%add3A_222] : memref<16384xf32, #tpu.memory_space<hbm>> -> memref<64xf32, #tpu.memory_space<hbm>>
    %dma_wait3A_292 = arith.constant 64 : i32
    %dma_wait3A_293 = tpu.memref_slice %arg11[%dma_wait3A_292] : memref<512xf32, #tpu.memory_space<vmem>> -> memref<64xf32, #tpu.memory_space<vmem>>
    tpu.wait_dma2 semaphore(%arg15 : memref<!tpu.dma_semaphore, #tpu.memory_space<semaphore_mem>>) src(%dma_wait3A_293 : memref<64xf32, #tpu.memory_space<vmem>>) dst(%dma_wait3A_291 : memref<64xf32, #tpu.memory_space<hbm>>)
    %add3A_294 = arith.constant 128 : i32
    %add3A_295 = arith.addi %mul3A_2, %add3A_294 : i32
    %dma_start3A_296 = arith.constant 128 : i32
    %dma_start3A_297 = tpu.memref_slice %arg11[%dma_start3A_296] : memref<512xf32, #tpu.memory_space<vmem>> -> memref<128xf32, #tpu.memory_space<vmem>>
    %dma_start3A_298 = tpu.memref_slice %arg6[%add3A_295] : memref<16384xf32, #tpu.memory_space<hbm>> -> memref<128xf32, #tpu.memory_space<hbm>>
    %dma_start3A_299 = tpu.memref_slice %arg6[%add3A_295] : memref<16384xf32, #tpu.memory_space<hbm>> -> memref<128xf32, #tpu.memory_space<hbm>>
    %dma_start3A_300 = arith.constant 128 : i32
    %dma_start3A_301 = tpu.memref_slice %arg11[%dma_start3A_300] : memref<512xf32, #tpu.memory_space<vmem>> -> memref<128xf32, #tpu.memory_space<vmem>>
    tpu.enqueue_dma source(%dma_start3A_301 : memref<128xf32, #tpu.memory_space<vmem>>) target(%dma_start3A_299 : memref<128xf32, #tpu.memory_space<hbm>>) target_semaphore(%arg15 : memref<!tpu.dma_semaphore, #tpu.memory_space<semaphore_mem>>)
    %dma_wait3A_302 = arith.constant 0 : i32
    %dma_wait3A_303 = arith.constant 0 : i32
    %dma_wait3A_304 = arith.constant 0 : i32
    %dma_wait3A_305 = tpu.memref_slice %arg9[%dma_wait3A_302, %dma_wait3A_303, %dma_wait3A_304] : memref<3x128x128xf32, #tpu.memory_space<vmem>> -> memref<1x128x128xf32, #tpu.memory_space<vmem>>
    %dma_wait3A_306 = tpu.memref_squeeze %dma_wait3A_305 : memref<1x128x128xf32, #tpu.memory_space<vmem>> -> memref<128x128xf32, #tpu.memory_space<vmem>>
    %dma_wait3A_307 = arith.constant 256 : i32
    %dma_wait3A_308 = tpu.memref_slice %arg7[%dma_wait3A_307] : memref<512xi32, #tpu.memory_space<vmem>> -> memref<128xi32, #tpu.memory_space<vmem>>
    %dma_wait3A_309 = arith.constant 0 : i32
    %dma_wait3A_310 = arith.constant 0 : i32
    %dma_wait3A_311 = tpu.memref_slice %arg4[%dma_wait3A_309, %dma_wait3A_310] : memref<100000x128xf32, #tpu.memory_space<hbm>> -> memref<100000x128xf32, #tpu.memory_space<hbm>>
    tpu.wait_indirect_dma semaphore(%arg12 : memref<!tpu.dma_semaphore, #tpu.memory_space<semaphore_mem>>) src(%dma_wait3A_311 : memref<100000x128xf32, #tpu.memory_space<hbm>>) dst(%dma_wait3A_306 : memref<128x128xf32, #tpu.memory_space<vmem>>)
    %dma_wait3A_312 = arith.constant 0 : i32
    %dma_wait3A_313 = arith.constant 0 : i32
    %dma_wait3A_314 = arith.constant 0 : i32
    %dma_wait3A_315 = tpu.memref_slice %arg10[%dma_wait3A_312, %dma_wait3A_313, %dma_wait3A_314] : memref<3x128x128xf32, #tpu.memory_space<vmem>> -> memref<1x128x128xf32, #tpu.memory_space<vmem>>
    %dma_wait3A_316 = tpu.memref_squeeze %dma_wait3A_315 : memref<1x128x128xf32, #tpu.memory_space<vmem>> -> memref<128x128xf32, #tpu.memory_space<vmem>>
    %dma_wait3A_317 = arith.constant 256 : i32
    %dma_wait3A_318 = tpu.memref_slice %arg8[%dma_wait3A_317] : memref<512xi32, #tpu.memory_space<vmem>> -> memref<128xi32, #tpu.memory_space<vmem>>
    %dma_wait3A_319 = arith.constant 0 : i32
    %dma_wait3A_320 = arith.constant 0 : i32
    %dma_wait3A_321 = tpu.memref_slice %arg5[%dma_wait3A_319, %dma_wait3A_320] : memref<100000x128xf32, #tpu.memory_space<hbm>> -> memref<100000x128xf32, #tpu.memory_space<hbm>>
    tpu.wait_indirect_dma semaphore(%arg12 : memref<!tpu.dma_semaphore, #tpu.memory_space<semaphore_mem>>) src(%dma_wait3A_321 : memref<100000x128xf32, #tpu.memory_space<hbm>>) dst(%dma_wait3A_316 : memref<128x128xf32, #tpu.memory_space<vmem>>)
    %iota3A_322 = tpu.iota {dimensions = array<i32: 0>} : vector<16xi32>
    %xor3A_323 = arith.constant 8 : i32
    %xor3A_324 = vector.broadcast %xor3A_323 : i32 to vector<16xi32>
    %xor3A_325 = arith.xori %iota3A_322, %xor3A_324 : vector<16xi32>
    %xor3A_326 = arith.constant 4 : i32
    %xor3A_327 = vector.broadcast %xor3A_326 : i32 to vector<16xi32>
    %xor3A_328 = arith.xori %iota3A_322, %xor3A_327 : vector<16xi32>
    %xor3A_329 = arith.constant 2 : i32
    %xor3A_330 = vector.broadcast %xor3A_329 : i32 to vector<16xi32>
    %xor3A_331 = arith.xori %iota3A_322, %xor3A_330 : vector<16xi32>
    %xor3A_332 = arith.constant 1 : i32
    %xor3A_333 = vector.broadcast %xor3A_332 : i32 to vector<16xi32>
    %xor3A_334 = arith.xori %iota3A_322, %xor3A_333 : vector<16xi32>
    %eq3A_335 = arith.constant 0 : i32
    %eq3A_336 = vector.broadcast %eq3A_335 : i32 to vector<16xi32>
    %eq3A_337 = arith.cmpi eq, %iota3A_322, %eq3A_336 : vector<16xi32>
    %parallel_loop3A_338 = arith.constant 0 : i32
    %parallel_loop3A_339 = arith.constant 128 : i32
    %parallel_loop3A_340 = arith.constant 1 : i32
    scf.for %parallel_loop3A_414 = %parallel_loop3A_338 to %parallel_loop3A_339 step %parallel_loop3A_340  : i32 {
      %parallel_loop3A_415 = arith.constant 0 : i32
      %parallel_loop3A_416 = arith.index_cast %parallel_loop3A_415 : i32 to index
      %parallel_loop3A_417 = arith.index_cast %parallel_loop3A_414 : i32 to index
      %parallel_loop3A_418 = arith.constant 0 : index
      %parallel_loop3A_419 = tpu.vector_load %arg9[%parallel_loop3A_416, %parallel_loop3A_417, %parallel_loop3A_418] {strides = array<i32>} : memref<3x128x128xf32, #tpu.memory_space<vmem>>, vector<16xf32>,
      %parallel_loop3A_420 = arith.constant 0 : i32
      %parallel_loop3A_421 = arith.index_cast %parallel_loop3A_420 : i32 to index
      %parallel_loop3A_422 = arith.index_cast %parallel_loop3A_414 : i32 to index
      %parallel_loop3A_423 = arith.constant 0 : index
      %parallel_loop3A_424 = tpu.vector_load %arg10[%parallel_loop3A_421, %parallel_loop3A_422, %parallel_loop3A_423] {strides = array<i32>} : memref<3x128x128xf32, #tpu.memory_space<vmem>>, vector<16xf32>,
      %parallel_loop3A_425 = arith.mulf %parallel_loop3A_419, %parallel_loop3A_424 : vector<16xf32>
      %parallel_loop3A_426 = arith.constant 0 : i32
      %parallel_loop3A_427 = arith.index_cast %parallel_loop3A_426 : i32 to index
      %parallel_loop3A_428 = arith.index_cast %parallel_loop3A_414 : i32 to index
      %parallel_loop3A_429 = arith.constant 16 : index
      %parallel_loop3A_430 = tpu.vector_load %arg9[%parallel_loop3A_427, %parallel_loop3A_428, %parallel_loop3A_429] {strides = array<i32>} : memref<3x128x128xf32, #tpu.memory_space<vmem>>, vector<16xf32>,
      %parallel_loop3A_431 = arith.constant 0 : i32
      %parallel_loop3A_432 = arith.index_cast %parallel_loop3A_431 : i32 to index
      %parallel_loop3A_433 = arith.index_cast %parallel_loop3A_414 : i32 to index
      %parallel_loop3A_434 = arith.constant 16 : index
      %parallel_loop3A_435 = tpu.vector_load %arg10[%parallel_loop3A_432, %parallel_loop3A_433, %parallel_loop3A_434] {strides = array<i32>} : memref<3x128x128xf32, #tpu.memory_space<vmem>>, vector<16xf32>,
      %parallel_loop3A_436 = arith.mulf %parallel_loop3A_430, %parallel_loop3A_435 : vector<16xf32>
      %parallel_loop3A_437 = arith.addf %parallel_loop3A_425, %parallel_loop3A_436 : vector<16xf32>
      %parallel_loop3A_438 = arith.constant 0 : i32
      %parallel_loop3A_439 = arith.index_cast %parallel_loop3A_438 : i32 to index
      %parallel_loop3A_440 = arith.index_cast %parallel_loop3A_414 : i32 to index
      %parallel_loop3A_441 = arith.constant 32 : index
      %parallel_loop3A_442 = tpu.vector_load %arg9[%parallel_loop3A_439, %parallel_loop3A_440, %parallel_loop3A_441] {strides = array<i32>} : memref<3x128x128xf32, #tpu.memory_space<vmem>>, vector<16xf32>,
      %parallel_loop3A_443 = arith.constant 0 : i32
      %parallel_loop3A_444 = arith.index_cast %parallel_loop3A_443 : i32 to index
      %parallel_loop3A_445 = arith.index_cast %parallel_loop3A_414 : i32 to index
      %parallel_loop3A_446 = arith.constant 32 : index
      %parallel_loop3A_447 = tpu.vector_load %arg10[%parallel_loop3A_444, %parallel_loop3A_445, %parallel_loop3A_446] {strides = array<i32>} : memref<3x128x128xf32, #tpu.memory_space<vmem>>, vector<16xf32>,
      %parallel_loop3A_448 = arith.mulf %parallel_loop3A_442, %parallel_loop3A_447 : vector<16xf32>
      %parallel_loop3A_449 = arith.addf %parallel_loop3A_437, %parallel_loop3A_448 : vector<16xf32>
      %parallel_loop3A_450 = arith.constant 0 : i32
      %parallel_loop3A_451 = arith.index_cast %parallel_loop3A_450 : i32 to index
      %parallel_loop3A_452 = arith.index_cast %parallel_loop3A_414 : i32 to index
      %parallel_loop3A_453 = arith.constant 48 : index
      %parallel_loop3A_454 = tpu.vector_load %arg9[%parallel_loop3A_451, %parallel_loop3A_452, %parallel_loop3A_453] {strides = array<i32>} : memref<3x128x128xf32, #tpu.memory_space<vmem>>, vector<16xf32>,
      %parallel_loop3A_455 = arith.constant 0 : i32
      %parallel_loop3A_456 = arith.index_cast %parallel_loop3A_455 : i32 to index
      %parallel_loop3A_457 = arith.index_cast %parallel_loop3A_414 : i32 to index
      %parallel_loop3A_458 = arith.constant 48 : index
      %parallel_loop3A_459 = tpu.vector_load %arg10[%parallel_loop3A_456, %parallel_loop3A_457, %parallel_loop3A_458] {strides = array<i32>} : memref<3x128x128xf32, #tpu.memory_space<vmem>>, vector<16xf32>,
      %parallel_loop3A_460 = arith.mulf %parallel_loop3A_454, %parallel_loop3A_459 : vector<16xf32>
      %parallel_loop3A_461 = arith.addf %parallel_loop3A_449, %parallel_loop3A_460 : vector<16xf32>
      %parallel_loop3A_462 = arith.constant 0 : i32
      %parallel_loop3A_463 = arith.index_cast %parallel_loop3A_462 : i32 to index
      %parallel_loop3A_464 = arith.index_cast %parallel_loop3A_414 : i32 to index
      %parallel_loop3A_465 = arith.constant 64 : index
      %parallel_loop3A_466 = tpu.vector_load %arg9[%parallel_loop3A_463, %parallel_loop3A_464, %parallel_loop3A_465] {strides = array<i32>} : memref<3x128x128xf32, #tpu.memory_space<vmem>>, vector<16xf32>,
      %parallel_loop3A_467 = arith.constant 0 : i32
      %parallel_loop3A_468 = arith.index_cast %parallel_loop3A_467 : i32 to index
      %parallel_loop3A_469 = arith.index_cast %parallel_loop3A_414 : i32 to index
      %parallel_loop3A_470 = arith.constant 64 : index
      %parallel_loop3A_471 = tpu.vector_load %arg10[%parallel_loop3A_468, %parallel_loop3A_469, %parallel_loop3A_470] {strides = array<i32>} : memref<3x128x128xf32, #tpu.memory_space<vmem>>, vector<16xf32>,
      %parallel_loop3A_472 = arith.mulf %parallel_loop3A_466, %parallel_loop3A_471 : vector<16xf32>
      %parallel_loop3A_473 = arith.addf %parallel_loop3A_461, %parallel_loop3A_472 : vector<16xf32>
      %parallel_loop3A_474 = arith.constant 0 : i32
      %parallel_loop3A_475 = arith.index_cast %parallel_loop3A_474 : i32 to index
      %parallel_loop3A_476 = arith.index_cast %parallel_loop3A_414 : i32 to index
      %parallel_loop3A_477 = arith.constant 80 : index
      %parallel_loop3A_478 = tpu.vector_load %arg9[%parallel_loop3A_475, %parallel_loop3A_476, %parallel_loop3A_477] {strides = array<i32>} : memref<3x128x128xf32, #tpu.memory_space<vmem>>, vector<16xf32>,
      %parallel_loop3A_479 = arith.constant 0 : i32
      %parallel_loop3A_480 = arith.index_cast %parallel_loop3A_479 : i32 to index
      %parallel_loop3A_481 = arith.index_cast %parallel_loop3A_414 : i32 to index
      %parallel_loop3A_482 = arith.constant 80 : index
      %parallel_loop3A_483 = tpu.vector_load %arg10[%parallel_loop3A_480, %parallel_loop3A_481, %parallel_loop3A_482] {strides = array<i32>} : memref<3x128x128xf32, #tpu.memory_space<vmem>>, vector<16xf32>,
      %parallel_loop3A_484 = arith.mulf %parallel_loop3A_478, %parallel_loop3A_483 : vector<16xf32>
      %parallel_loop3A_485 = arith.addf %parallel_loop3A_473, %parallel_loop3A_484 : vector<16xf32>
      %parallel_loop3A_486 = arith.constant 0 : i32
      %parallel_loop3A_487 = arith.index_cast %parallel_loop3A_486 : i32 to index
      %parallel_loop3A_488 = arith.index_cast %parallel_loop3A_414 : i32 to index
      %parallel_loop3A_489 = arith.constant 96 : index
      %parallel_loop3A_490 = tpu.vector_load %arg9[%parallel_loop3A_487, %parallel_loop3A_488, %parallel_loop3A_489] {strides = array<i32>} : memref<3x128x128xf32, #tpu.memory_space<vmem>>, vector<16xf32>,
      %parallel_loop3A_491 = arith.constant 0 : i32
      %parallel_loop3A_492 = arith.index_cast %parallel_loop3A_491 : i32 to index
      %parallel_loop3A_493 = arith.index_cast %parallel_loop3A_414 : i32 to index
      %parallel_loop3A_494 = arith.constant 96 : index
      %parallel_loop3A_495 = tpu.vector_load %arg10[%parallel_loop3A_492, %parallel_loop3A_493, %parallel_loop3A_494] {strides = array<i32>} : memref<3x128x128xf32, #tpu.memory_space<vmem>>, vector<16xf32>,
      %parallel_loop3A_496 = arith.mulf %parallel_loop3A_490, %parallel_loop3A_495 : vector<16xf32>
      %parallel_loop3A_497 = arith.addf %parallel_loop3A_485, %parallel_loop3A_496 : vector<16xf32>
      %parallel_loop3A_498 = arith.constant 0 : i32
      %parallel_loop3A_499 = arith.index_cast %parallel_loop3A_498 : i32 to index
      %parallel_loop3A_500 = arith.index_cast %parallel_loop3A_414 : i32 to index
      %parallel_loop3A_501 = arith.constant 112 : index
      %parallel_loop3A_502 = tpu.vector_load %arg9[%parallel_loop3A_499, %parallel_loop3A_500, %parallel_loop3A_501] {strides = array<i32>} : memref<3x128x128xf32, #tpu.memory_space<vmem>>, vector<16xf32>,
      %parallel_loop3A_503 = arith.constant 0 : i32
      %parallel_loop3A_504 = arith.index_cast %parallel_loop3A_503 : i32 to index
      %parallel_loop3A_505 = arith.index_cast %parallel_loop3A_414 : i32 to index
      %parallel_loop3A_506 = arith.constant 112 : index
      %parallel_loop3A_507 = tpu.vector_load %arg10[%parallel_loop3A_504, %parallel_loop3A_505, %parallel_loop3A_506] {strides = array<i32>} : memref<3x128x128xf32, #tpu.memory_space<vmem>>, vector<16xf32>,
      %parallel_loop3A_508 = arith.mulf %parallel_loop3A_502, %parallel_loop3A_507 : vector<16xf32>
      %parallel_loop3A_509 = arith.addf %parallel_loop3A_497, %parallel_loop3A_508 : vector<16xf32>
      %parallel_loop3A_510 = vector.shape_cast %xor3A_325 : vector<16xi32> to vector<16x1xi32>
      %parallel_loop3A_511 = vector.shape_cast %parallel_loop3A_510 : vector<16x1xi32> to vector<16xi32>
      %parallel_loop3A_512 = tpu.dynamic_gather %parallel_loop3A_509[%parallel_loop3A_511] in [0] : vector<16xf32>, vector<16xi32> -> vector<16xf32>
      %parallel_loop3A_513 = arith.addf %parallel_loop3A_509, %parallel_loop3A_512 : vector<16xf32>
      %parallel_loop3A_514 = vector.shape_cast %xor3A_328 : vector<16xi32> to vector<16x1xi32>
      %parallel_loop3A_515 = vector.shape_cast %parallel_loop3A_514 : vector<16x1xi32> to vector<16xi32>
      %parallel_loop3A_516 = tpu.dynamic_gather %parallel_loop3A_513[%parallel_loop3A_515] in [0] : vector<16xf32>, vector<16xi32> -> vector<16xf32>
      %parallel_loop3A_517 = arith.addf %parallel_loop3A_513, %parallel_loop3A_516 : vector<16xf32>
      %parallel_loop3A_518 = vector.shape_cast %xor3A_331 : vector<16xi32> to vector<16x1xi32>
      %parallel_loop3A_519 = vector.shape_cast %parallel_loop3A_518 : vector<16x1xi32> to vector<16xi32>
      %parallel_loop3A_520 = tpu.dynamic_gather %parallel_loop3A_517[%parallel_loop3A_519] in [0] : vector<16xf32>, vector<16xi32> -> vector<16xf32>
      %parallel_loop3A_521 = arith.addf %parallel_loop3A_517, %parallel_loop3A_520 : vector<16xf32>
      %parallel_loop3A_522 = vector.shape_cast %xor3A_334 : vector<16xi32> to vector<16x1xi32>
      %parallel_loop3A_523 = vector.shape_cast %parallel_loop3A_522 : vector<16x1xi32> to vector<16xi32>
      %parallel_loop3A_524 = tpu.dynamic_gather %parallel_loop3A_521[%parallel_loop3A_523] in [0] : vector<16xf32>, vector<16xi32> -> vector<16xf32>
      %parallel_loop3A_525 = arith.addf %parallel_loop3A_521, %parallel_loop3A_524 : vector<16xf32>
      %parallel_loop3A_526 = arith.constant 256 : i32
      %parallel_loop3A_527 = arith.addi %parallel_loop3A_526, %parallel_loop3A_414 : i32
      %parallel_loop3A_528 = vector.broadcast %parallel_loop3A_527 : i32 to vector<16xi32>
      %parallel_loop3A_529 = arith.addi %iota3A_322, %parallel_loop3A_528 : vector<16xi32>
      tpu.vector_store_idx %arg11[%parallel_loop3A_529], %parallel_loop3A_525 masked %eq3A_337 : memref<512xf32, #tpu.memory_space<vmem>>[vector<16xi32>], vector<16xf32>, vector<16xi1>
    } {sc.loop_unroll_factor = 1 : i64, sc.parallel_access}
    %dma_wait3A_341 = arith.constant 128 : i32
    %dma_wait3A_342 = tpu.memref_slice %arg11[%dma_wait3A_341] : memref<512xf32, #tpu.memory_space<vmem>> -> memref<128xf32, #tpu.memory_space<vmem>>
    %dma_wait3A_343 = tpu.memref_slice %arg6[%add3A_295] : memref<16384xf32, #tpu.memory_space<hbm>> -> memref<128xf32, #tpu.memory_space<hbm>>
    %dma_wait3A_344 = tpu.memref_slice %arg6[%add3A_295] : memref<16384xf32, #tpu.memory_space<hbm>> -> memref<128xf32, #tpu.memory_space<hbm>>
    %dma_wait3A_345 = arith.constant 128 : i32
    %dma_wait3A_346 = tpu.memref_slice %arg11[%dma_wait3A_345] : memref<512xf32, #tpu.memory_space<vmem>> -> memref<128xf32, #tpu.memory_space<vmem>>
    tpu.wait_dma2 semaphore(%arg15 : memref<!tpu.dma_semaphore, #tpu.memory_space<semaphore_mem>>) src(%dma_wait3A_346 : memref<128xf32, #tpu.memory_space<vmem>>) dst(%dma_wait3A_344 : memref<128xf32, #tpu.memory_space<hbm>>)
    %add3A_347 = arith.constant 256 : i32
    %add3A_348 = arith.addi %mul3A_2, %add3A_347 : i32
    %dma_start3A_349 = arith.constant 256 : i32
    %dma_start3A_350 = tpu.memref_slice %arg11[%dma_start3A_349] : memref<512xf32, #tpu.memory_space<vmem>> -> memref<128xf32, #tpu.memory_space<vmem>>
    %dma_start3A_351 = tpu.memref_slice %arg6[%add3A_348] : memref<16384xf32, #tpu.memory_space<hbm>> -> memref<128xf32, #tpu.memory_space<hbm>>
    %dma_start3A_352 = tpu.memref_slice %arg6[%add3A_348] : memref<16384xf32, #tpu.memory_space<hbm>> -> memref<128xf32, #tpu.memory_space<hbm>>
    %dma_start3A_353 = arith.constant 256 : i32
    %dma_start3A_354 = tpu.memref_slice %arg11[%dma_start3A_353] : memref<512xf32, #tpu.memory_space<vmem>> -> memref<128xf32, #tpu.memory_space<vmem>>
    tpu.enqueue_dma source(%dma_start3A_354 : memref<128xf32, #tpu.memory_space<vmem>>) target(%dma_start3A_352 : memref<128xf32, #tpu.memory_space<hbm>>) target_semaphore(%arg15 : memref<!tpu.dma_semaphore, #tpu.memory_space<semaphore_mem>>)
    %dma_wait3A_355 = arith.constant 1 : i32
    %dma_wait3A_356 = arith.constant 0 : i32
    %dma_wait3A_357 = arith.constant 0 : i32
    %dma_wait3A_358 = tpu.memref_slice %arg9[%dma_wait3A_355, %dma_wait3A_356, %dma_wait3A_357] : memref<3x128x128xf32, #tpu.memory_space<vmem>> -> memref<1x128x128xf32, #tpu.memory_space<vmem>>
    %dma_wait3A_359 = tpu.memref_squeeze %dma_wait3A_358 : memref<1x128x128xf32, #tpu.memory_space<vmem>> -> memref<128x128xf32, #tpu.memory_space<vmem>>
    %dma_wait3A_360 = arith.constant 384 : i32
    %dma_wait3A_361 = tpu.memref_slice %arg7[%dma_wait3A_360] : memref<512xi32, #tpu.memory_space<vmem>> -> memref<128xi32, #tpu.memory_space<vmem>>
    %dma_wait3A_362 = arith.constant 0 : i32
    %dma_wait3A_363 = arith.constant 0 : i32
    %dma_wait3A_364 = tpu.memref_slice %arg4[%dma_wait3A_362, %dma_wait3A_363] : memref<100000x128xf32, #tpu.memory_space<hbm>> -> memref<100000x128xf32, #tpu.memory_space<hbm>>
    tpu.wait_indirect_dma semaphore(%arg13 : memref<!tpu.dma_semaphore, #tpu.memory_space<semaphore_mem>>) src(%dma_wait3A_364 : memref<100000x128xf32, #tpu.memory_space<hbm>>) dst(%dma_wait3A_359 : memref<128x128xf32, #tpu.memory_space<vmem>>)
    %dma_wait3A_365 = arith.constant 1 : i32
    %dma_wait3A_366 = arith.constant 0 : i32
    %dma_wait3A_367 = arith.constant 0 : i32
    %dma_wait3A_368 = tpu.memref_slice %arg10[%dma_wait3A_365, %dma_wait3A_366, %dma_wait3A_367] : memref<3x128x128xf32, #tpu.memory_space<vmem>> -> memref<1x128x128xf32, #tpu.memory_space<vmem>>
    %dma_wait3A_369 = tpu.memref_squeeze %dma_wait3A_368 : memref<1x128x128xf32, #tpu.memory_space<vmem>> -> memref<128x128xf32, #tpu.memory_space<vmem>>
    %dma_wait3A_370 = arith.constant 384 : i32
    %dma_wait3A_371 = tpu.memref_slice %arg8[%dma_wait3A_370] : memref<512xi32, #tpu.memory_space<vmem>> -> memref<128xi32, #tpu.memory_space<vmem>>
    %dma_wait3A_372 = arith.constant 0 : i32
    %dma_wait3A_373 = arith.constant 0 : i32
    %dma_wait3A_374 = tpu.memref_slice %arg5[%dma_wait3A_372, %dma_wait3A_373] : memref<100000x128xf32, #tpu.memory_space<hbm>> -> memref<100000x128xf32, #tpu.memory_space<hbm>>
    tpu.wait_indirect_dma semaphore(%arg13 : memref<!tpu.dma_semaphore, #tpu.memory_space<semaphore_mem>>) src(%dma_wait3A_374 : memref<100000x128xf32, #tpu.memory_space<hbm>>) dst(%dma_wait3A_369 : memref<128x128xf32, #tpu.memory_space<vmem>>)
    %iota3A_375 = tpu.iota {dimensions = array<i32: 0>} : vector<16xi32>
    %xor3A_376 = arith.constant 8 : i32
    %xor3A_377 = vector.broadcast %xor3A_376 : i32 to vector<16xi32>
    %xor3A_378 = arith.xori %iota3A_375, %xor3A_377 : vector<16xi32>
    %xor3A_379 = arith.constant 4 : i32
    %xor3A_380 = vector.broadcast %xor3A_379 : i32 to vector<16xi32>
    %xor3A_381 = arith.xori %iota3A_375, %xor3A_380 : vector<16xi32>
    %xor3A_382 = arith.constant 2 : i32
    %xor3A_383 = vector.broadcast %xor3A_382 : i32 to vector<16xi32>
    %xor3A_384 = arith.xori %iota3A_375, %xor3A_383 : vector<16xi32>
    %xor3A_385 = arith.constant 1 : i32
    %xor3A_386 = vector.broadcast %xor3A_385 : i32 to vector<16xi32>
    %xor3A_387 = arith.xori %iota3A_375, %xor3A_386 : vector<16xi32>
    %eq3A_388 = arith.constant 0 : i32
    %eq3A_389 = vector.broadcast %eq3A_388 : i32 to vector<16xi32>
    %eq3A_390 = arith.cmpi eq, %iota3A_375, %eq3A_389 : vector<16xi32>
    %parallel_loop3A_391 = arith.constant 0 : i32
    %parallel_loop3A_392 = arith.constant 128 : i32
    %parallel_loop3A_393 = arith.constant 1 : i32
    scf.for %parallel_loop3A_414 = %parallel_loop3A_391 to %parallel_loop3A_392 step %parallel_loop3A_393  : i32 {
      %parallel_loop3A_415 = arith.constant 1 : i32
      %parallel_loop3A_416 = arith.index_cast %parallel_loop3A_415 : i32 to index
      %parallel_loop3A_417 = arith.index_cast %parallel_loop3A_414 : i32 to index
      %parallel_loop3A_418 = arith.constant 0 : index
      %parallel_loop3A_419 = tpu.vector_load %arg9[%parallel_loop3A_416, %parallel_loop3A_417, %parallel_loop3A_418] {strides = array<i32>} : memref<3x128x128xf32, #tpu.memory_space<vmem>>, vector<16xf32>,
      %parallel_loop3A_420 = arith.constant 1 : i32
      %parallel_loop3A_421 = arith.index_cast %parallel_loop3A_420 : i32 to index
      %parallel_loop3A_422 = arith.index_cast %parallel_loop3A_414 : i32 to index
      %parallel_loop3A_423 = arith.constant 0 : index
      %parallel_loop3A_424 = tpu.vector_load %arg10[%parallel_loop3A_421, %parallel_loop3A_422, %parallel_loop3A_423] {strides = array<i32>} : memref<3x128x128xf32, #tpu.memory_space<vmem>>, vector<16xf32>,
      %parallel_loop3A_425 = arith.mulf %parallel_loop3A_419, %parallel_loop3A_424 : vector<16xf32>
      %parallel_loop3A_426 = arith.constant 1 : i32
      %parallel_loop3A_427 = arith.index_cast %parallel_loop3A_426 : i32 to index
      %parallel_loop3A_428 = arith.index_cast %parallel_loop3A_414 : i32 to index
      %parallel_loop3A_429 = arith.constant 16 : index
      %parallel_loop3A_430 = tpu.vector_load %arg9[%parallel_loop3A_427, %parallel_loop3A_428, %parallel_loop3A_429] {strides = array<i32>} : memref<3x128x128xf32, #tpu.memory_space<vmem>>, vector<16xf32>,
      %parallel_loop3A_431 = arith.constant 1 : i32
      %parallel_loop3A_432 = arith.index_cast %parallel_loop3A_431 : i32 to index
      %parallel_loop3A_433 = arith.index_cast %parallel_loop3A_414 : i32 to index
      %parallel_loop3A_434 = arith.constant 16 : index
      %parallel_loop3A_435 = tpu.vector_load %arg10[%parallel_loop3A_432, %parallel_loop3A_433, %parallel_loop3A_434] {strides = array<i32>} : memref<3x128x128xf32, #tpu.memory_space<vmem>>, vector<16xf32>,
      %parallel_loop3A_436 = arith.mulf %parallel_loop3A_430, %parallel_loop3A_435 : vector<16xf32>
      %parallel_loop3A_437 = arith.addf %parallel_loop3A_425, %parallel_loop3A_436 : vector<16xf32>
      %parallel_loop3A_438 = arith.constant 1 : i32
      %parallel_loop3A_439 = arith.index_cast %parallel_loop3A_438 : i32 to index
      %parallel_loop3A_440 = arith.index_cast %parallel_loop3A_414 : i32 to index
      %parallel_loop3A_441 = arith.constant 32 : index
      %parallel_loop3A_442 = tpu.vector_load %arg9[%parallel_loop3A_439, %parallel_loop3A_440, %parallel_loop3A_441] {strides = array<i32>} : memref<3x128x128xf32, #tpu.memory_space<vmem>>, vector<16xf32>,
      %parallel_loop3A_443 = arith.constant 1 : i32
      %parallel_loop3A_444 = arith.index_cast %parallel_loop3A_443 : i32 to index
      %parallel_loop3A_445 = arith.index_cast %parallel_loop3A_414 : i32 to index
      %parallel_loop3A_446 = arith.constant 32 : index
      %parallel_loop3A_447 = tpu.vector_load %arg10[%parallel_loop3A_444, %parallel_loop3A_445, %parallel_loop3A_446] {strides = array<i32>} : memref<3x128x128xf32, #tpu.memory_space<vmem>>, vector<16xf32>,
      %parallel_loop3A_448 = arith.mulf %parallel_loop3A_442, %parallel_loop3A_447 : vector<16xf32>
      %parallel_loop3A_449 = arith.addf %parallel_loop3A_437, %parallel_loop3A_448 : vector<16xf32>
      %parallel_loop3A_450 = arith.constant 1 : i32
      %parallel_loop3A_451 = arith.index_cast %parallel_loop3A_450 : i32 to index
      %parallel_loop3A_452 = arith.index_cast %parallel_loop3A_414 : i32 to index
      %parallel_loop3A_453 = arith.constant 48 : index
      %parallel_loop3A_454 = tpu.vector_load %arg9[%parallel_loop3A_451, %parallel_loop3A_452, %parallel_loop3A_453] {strides = array<i32>} : memref<3x128x128xf32, #tpu.memory_space<vmem>>, vector<16xf32>,
      %parallel_loop3A_455 = arith.constant 1 : i32
      %parallel_loop3A_456 = arith.index_cast %parallel_loop3A_455 : i32 to index
      %parallel_loop3A_457 = arith.index_cast %parallel_loop3A_414 : i32 to index
      %parallel_loop3A_458 = arith.constant 48 : index
      %parallel_loop3A_459 = tpu.vector_load %arg10[%parallel_loop3A_456, %parallel_loop3A_457, %parallel_loop3A_458] {strides = array<i32>} : memref<3x128x128xf32, #tpu.memory_space<vmem>>, vector<16xf32>,
      %parallel_loop3A_460 = arith.mulf %parallel_loop3A_454, %parallel_loop3A_459 : vector<16xf32>
      %parallel_loop3A_461 = arith.addf %parallel_loop3A_449, %parallel_loop3A_460 : vector<16xf32>
      %parallel_loop3A_462 = arith.constant 1 : i32
      %parallel_loop3A_463 = arith.index_cast %parallel_loop3A_462 : i32 to index
      %parallel_loop3A_464 = arith.index_cast %parallel_loop3A_414 : i32 to index
      %parallel_loop3A_465 = arith.constant 64 : index
      %parallel_loop3A_466 = tpu.vector_load %arg9[%parallel_loop3A_463, %parallel_loop3A_464, %parallel_loop3A_465] {strides = array<i32>} : memref<3x128x128xf32, #tpu.memory_space<vmem>>, vector<16xf32>,
      %parallel_loop3A_467 = arith.constant 1 : i32
      %parallel_loop3A_468 = arith.index_cast %parallel_loop3A_467 : i32 to index
      %parallel_loop3A_469 = arith.index_cast %parallel_loop3A_414 : i32 to index
      %parallel_loop3A_470 = arith.constant 64 : index
      %parallel_loop3A_471 = tpu.vector_load %arg10[%parallel_loop3A_468, %parallel_loop3A_469, %parallel_loop3A_470] {strides = array<i32>} : memref<3x128x128xf32, #tpu.memory_space<vmem>>, vector<16xf32>,
      %parallel_loop3A_472 = arith.mulf %parallel_loop3A_466, %parallel_loop3A_471 : vector<16xf32>
      %parallel_loop3A_473 = arith.addf %parallel_loop3A_461, %parallel_loop3A_472 : vector<16xf32>
      %parallel_loop3A_474 = arith.constant 1 : i32
      %parallel_loop3A_475 = arith.index_cast %parallel_loop3A_474 : i32 to index
      %parallel_loop3A_476 = arith.index_cast %parallel_loop3A_414 : i32 to index
      %parallel_loop3A_477 = arith.constant 80 : index
      %parallel_loop3A_478 = tpu.vector_load %arg9[%parallel_loop3A_475, %parallel_loop3A_476, %parallel_loop3A_477] {strides = array<i32>} : memref<3x128x128xf32, #tpu.memory_space<vmem>>, vector<16xf32>,
      %parallel_loop3A_479 = arith.constant 1 : i32
      %parallel_loop3A_480 = arith.index_cast %parallel_loop3A_479 : i32 to index
      %parallel_loop3A_481 = arith.index_cast %parallel_loop3A_414 : i32 to index
      %parallel_loop3A_482 = arith.constant 80 : index
      %parallel_loop3A_483 = tpu.vector_load %arg10[%parallel_loop3A_480, %parallel_loop3A_481, %parallel_loop3A_482] {strides = array<i32>} : memref<3x128x128xf32, #tpu.memory_space<vmem>>, vector<16xf32>,
      %parallel_loop3A_484 = arith.mulf %parallel_loop3A_478, %parallel_loop3A_483 : vector<16xf32>
      %parallel_loop3A_485 = arith.addf %parallel_loop3A_473, %parallel_loop3A_484 : vector<16xf32>
      %parallel_loop3A_486 = arith.constant 1 : i32
      %parallel_loop3A_487 = arith.index_cast %parallel_loop3A_486 : i32 to index
      %parallel_loop3A_488 = arith.index_cast %parallel_loop3A_414 : i32 to index
      %parallel_loop3A_489 = arith.constant 96 : index
      %parallel_loop3A_490 = tpu.vector_load %arg9[%parallel_loop3A_487, %parallel_loop3A_488, %parallel_loop3A_489] {strides = array<i32>} : memref<3x128x128xf32, #tpu.memory_space<vmem>>, vector<16xf32>,
      %parallel_loop3A_491 = arith.constant 1 : i32
      %parallel_loop3A_492 = arith.index_cast %parallel_loop3A_491 : i32 to index
      %parallel_loop3A_493 = arith.index_cast %parallel_loop3A_414 : i32 to index
      %parallel_loop3A_494 = arith.constant 96 : index
      %parallel_loop3A_495 = tpu.vector_load %arg10[%parallel_loop3A_492, %parallel_loop3A_493, %parallel_loop3A_494] {strides = array<i32>} : memref<3x128x128xf32, #tpu.memory_space<vmem>>, vector<16xf32>,
      %parallel_loop3A_496 = arith.mulf %parallel_loop3A_490, %parallel_loop3A_495 : vector<16xf32>
      %parallel_loop3A_497 = arith.addf %parallel_loop3A_485, %parallel_loop3A_496 : vector<16xf32>
      %parallel_loop3A_498 = arith.constant 1 : i32
      %parallel_loop3A_499 = arith.index_cast %parallel_loop3A_498 : i32 to index
      %parallel_loop3A_500 = arith.index_cast %parallel_loop3A_414 : i32 to index
      %parallel_loop3A_501 = arith.constant 112 : index
      %parallel_loop3A_502 = tpu.vector_load %arg9[%parallel_loop3A_499, %parallel_loop3A_500, %parallel_loop3A_501] {strides = array<i32>} : memref<3x128x128xf32, #tpu.memory_space<vmem>>, vector<16xf32>,
      %parallel_loop3A_503 = arith.constant 1 : i32
      %parallel_loop3A_504 = arith.index_cast %parallel_loop3A_503 : i32 to index
      %parallel_loop3A_505 = arith.index_cast %parallel_loop3A_414 : i32 to index
      %parallel_loop3A_506 = arith.constant 112 : index
      %parallel_loop3A_507 = tpu.vector_load %arg10[%parallel_loop3A_504, %parallel_loop3A_505, %parallel_loop3A_506] {strides = array<i32>} : memref<3x128x128xf32, #tpu.memory_space<vmem>>, vector<16xf32>,
      %parallel_loop3A_508 = arith.mulf %parallel_loop3A_502, %parallel_loop3A_507 : vector<16xf32>
      %parallel_loop3A_509 = arith.addf %parallel_loop3A_497, %parallel_loop3A_508 : vector<16xf32>
      %parallel_loop3A_510 = vector.shape_cast %xor3A_378 : vector<16xi32> to vector<16x1xi32>
      %parallel_loop3A_511 = vector.shape_cast %parallel_loop3A_510 : vector<16x1xi32> to vector<16xi32>
      %parallel_loop3A_512 = tpu.dynamic_gather %parallel_loop3A_509[%parallel_loop3A_511] in [0] : vector<16xf32>, vector<16xi32> -> vector<16xf32>
      %parallel_loop3A_513 = arith.addf %parallel_loop3A_509, %parallel_loop3A_512 : vector<16xf32>
      %parallel_loop3A_514 = vector.shape_cast %xor3A_381 : vector<16xi32> to vector<16x1xi32>
      %parallel_loop3A_515 = vector.shape_cast %parallel_loop3A_514 : vector<16x1xi32> to vector<16xi32>
      %parallel_loop3A_516 = tpu.dynamic_gather %parallel_loop3A_513[%parallel_loop3A_515] in [0] : vector<16xf32>, vector<16xi32> -> vector<16xf32>
      %parallel_loop3A_517 = arith.addf %parallel_loop3A_513, %parallel_loop3A_516 : vector<16xf32>
      %parallel_loop3A_518 = vector.shape_cast %xor3A_384 : vector<16xi32> to vector<16x1xi32>
      %parallel_loop3A_519 = vector.shape_cast %parallel_loop3A_518 : vector<16x1xi32> to vector<16xi32>
      %parallel_loop3A_520 = tpu.dynamic_gather %parallel_loop3A_517[%parallel_loop3A_519] in [0] : vector<16xf32>, vector<16xi32> -> vector<16xf32>
      %parallel_loop3A_521 = arith.addf %parallel_loop3A_517, %parallel_loop3A_520 : vector<16xf32>
      %parallel_loop3A_522 = vector.shape_cast %xor3A_387 : vector<16xi32> to vector<16x1xi32>
      %parallel_loop3A_523 = vector.shape_cast %parallel_loop3A_522 : vector<16x1xi32> to vector<16xi32>
      %parallel_loop3A_524 = tpu.dynamic_gather %parallel_loop3A_521[%parallel_loop3A_523] in [0] : vector<16xf32>, vector<16xi32> -> vector<16xf32>
      %parallel_loop3A_525 = arith.addf %parallel_loop3A_521, %parallel_loop3A_524 : vector<16xf32>
      %parallel_loop3A_526 = arith.constant 384 : i32
      %parallel_loop3A_527 = arith.addi %parallel_loop3A_526, %parallel_loop3A_414 : i32
      %parallel_loop3A_528 = vector.broadcast %parallel_loop3A_527 : i32 to vector<16xi32>
      %parallel_loop3A_529 = arith.addi %iota3A_375, %parallel_loop3A_528 : vector<16xi32>
      tpu.vector_store_idx %arg11[%parallel_loop3A_529], %parallel_loop3A_525 masked %eq3A_390 : memref<512xf32, #tpu.memory_space<vmem>>[vector<16xi32>], vector<16xf32>, vector<16xi1>
    } {sc.loop_unroll_factor = 1 : i64, sc.parallel_access}
    %dma_wait3A_394 = arith.constant 256 : i32
    %dma_wait3A_395 = tpu.memref_slice %arg11[%dma_wait3A_394] : memref<512xf32, #tpu.memory_space<vmem>> -> memref<128xf32, #tpu.memory_space<vmem>>
    %dma_wait3A_396 = tpu.memref_slice %arg6[%add3A_348] : memref<16384xf32, #tpu.memory_space<hbm>> -> memref<128xf32, #tpu.memory_space<hbm>>
    %dma_wait3A_397 = tpu.memref_slice %arg6[%add3A_348] : memref<16384xf32, #tpu.memory_space<hbm>> -> memref<128xf32, #tpu.memory_space<hbm>>
    %dma_wait3A_398 = arith.constant 256 : i32
    %dma_wait3A_399 = tpu.memref_slice %arg11[%dma_wait3A_398] : memref<512xf32, #tpu.memory_space<vmem>> -> memref<128xf32, #tpu.memory_space<vmem>>
    tpu.wait_dma2 semaphore(%arg15 : memref<!tpu.dma_semaphore, #tpu.memory_space<semaphore_mem>>) src(%dma_wait3A_399 : memref<128xf32, #tpu.memory_space<vmem>>) dst(%dma_wait3A_397 : memref<128xf32, #tpu.memory_space<hbm>>)
    %add3A_400 = arith.constant 384 : i32
    %add3A_401 = arith.addi %mul3A_2, %add3A_400 : i32
    %dma_start3A_402 = arith.constant 384 : i32
    %dma_start3A_403 = tpu.memref_slice %arg11[%dma_start3A_402] : memref<512xf32, #tpu.memory_space<vmem>> -> memref<128xf32, #tpu.memory_space<vmem>>
    %dma_start3A_404 = tpu.memref_slice %arg6[%add3A_401] : memref<16384xf32, #tpu.memory_space<hbm>> -> memref<128xf32, #tpu.memory_space<hbm>>
    %dma_start3A_405 = tpu.memref_slice %arg6[%add3A_401] : memref<16384xf32, #tpu.memory_space<hbm>> -> memref<128xf32, #tpu.memory_space<hbm>>
    %dma_start3A_406 = arith.constant 384 : i32
    %dma_start3A_407 = tpu.memref_slice %arg11[%dma_start3A_406] : memref<512xf32, #tpu.memory_space<vmem>> -> memref<128xf32, #tpu.memory_space<vmem>>
    tpu.enqueue_dma source(%dma_start3A_407 : memref<128xf32, #tpu.memory_space<vmem>>) target(%dma_start3A_405 : memref<128xf32, #tpu.memory_space<hbm>>) target_semaphore(%arg15 : memref<!tpu.dma_semaphore, #tpu.memory_space<semaphore_mem>>)
    %dma_wait3A_408 = arith.constant 384 : i32
    %dma_wait3A_409 = tpu.memref_slice %arg11[%dma_wait3A_408] : memref<512xf32, #tpu.memory_space<vmem>> -> memref<128xf32, #tpu.memory_space<vmem>>
    %dma_wait3A_410 = tpu.memref_slice %arg6[%add3A_401] : memref<16384xf32, #tpu.memory_space<hbm>> -> memref<128xf32, #tpu.memory_space<hbm>>
    %dma_wait3A_411 = tpu.memref_slice %arg6[%add3A_401] : memref<16384xf32, #tpu.memory_space<hbm>> -> memref<128xf32, #tpu.memory_space<hbm>>
    %dma_wait3A_412 = arith.constant 384 : i32
    %dma_wait3A_413 = tpu.memref_slice %arg11[%dma_wait3A_412] : memref<512xf32, #tpu.memory_space<vmem>> -> memref<128xf32, #tpu.memory_space<vmem>>
    tpu.wait_dma2 semaphore(%arg15 : memref<!tpu.dma_semaphore, #tpu.memory_space<semaphore_mem>>) src(%dma_wait3A_413 : memref<128xf32, #tpu.memory_space<vmem>>) dst(%dma_wait3A_411 : memref<128xf32, #tpu.memory_space<hbm>>)
    return
  }
}

</mosaic_0001>

<sc_bundles>
// kernel: kernel.3.cloned.1.call-start
scs
__scs_entry_jumppad:
0x0: {  	(pc) =	sbr.rel $0x88, $3  }
0x1: {  	(tag) =	ssettag $0x0;
	lr =	simm.s32 $0x1  }
0x2: {  	[smem:$0x3F9D] =	sst lr;
	_ =	strace $0xD0000000  }
0x3: {  	_ = 	snop  }
0x4: {  	_ = 	snop  }
0x5: {  	_ = 	snop  }
0x6: {  	_ = 	snop  }
0x7: {  	_ = 	snop  }
__scs_overlays_trampoline_lowered:
0x8: {  	[smem:$0x3FAC] =	sst s0  }
0x9: {  	[smem:$0x3FAD] =	sst s1  }
0xa: {  	[smem:$0x3FAE] =	sst s2  }
0xb: {  	[smem:$0x3FAF] =	sst s3  }
0xc: {  	[smem:$0x3FB0] =	sst s4  }
0xd: {  	[smem:$0x3FB1] =	sst s5  }
0xe: {  	[smem:$0x3FB2] =	sst s6  }
0xf: {  	[smem:$0x3FB3] =	sst s7  }
0x10: {  	[smem:$0x3FB4] =	sst s8  }
0x11: {  	[smem:$0x3FB5] =	sst s9;
	s0 =	simm.s32 @!p0 $0x0  }
0x12: {  	s1 =	sld [smem:$0x3F9B];
	s0 =	simm.s32 @p0 $0x1  }
0x13: {  	[smem:$0x3FB6] =	sst s0;
	s0 =	simm.s32 @!p1 $0x0  }
0x14: {  	s2 =	sld [smem:$0x3F9A];
	s0 =	simm.s32 @p1 $0x1  }
0x15: {  	[smem:$0x3FB7] =	sst s0;
	s0 =	simm.s32 @!p2 $0x0  }
0x16: {  	s3 =	sld [smem:$0x3FDB];
	s0 =	simm.s32 @p2 $0x1  }
0x17: {  	s4 =	simm.s32 $0x1BF5;
	[smem:$0x3FB9] =	sst s0  }
0x18: {  	s0 =	sld [smem:$0x3F9C];
	_ =	swait.ge [sflag:s4], $0x0  }
0x19: {  	s7 =	sld [smem:$0x3F9D]  }
0x1a: {  	s8 =	sadd.s32 $0xFFFFE003, lr  }
0x1b: {  	s9 =	sadd.s32 $0xFFFFFEF7, lr;
	s5 =	simm.s32 $0xFFFFFFFF;
	p2 =	slt.u32 s8, $0xFFFFF086  }
0x1c: {  	p1 =	slt.u32 s9, $0xF7A;
	s5 =	simm.s32 @!p2 $0x0  }
0x1d: {  	s5 =	simm.s32 @p1 $0x1;
	p0 =	seq.s32 s7, s2  }
0x1e: {  	s7 =	smul.u32 @!p0 $0xF7A, s2;
	p2 =	seq.s32 @!p0 s5, $0x0  }
0x1f: {  	s9 =	smul.u32 $0xF7A, s1;
	s8 =	simm.s32 @!p0 $0x1BF5;
	p2 =	por !p2, p0  }
0x20: {  	[sflag:s8] =	ssyncset.s32 @!p0 $0xFFFFF086;
	s6 =	sadd.s32 @!p0 s3, s7;
	s7 =	simm.s32 @!p0 $0x108  }
0x21: {  	s3 =	sadd.s32 s3, s9;
	s6 =	sadd.s32 @!p0 $0x88, s6;
	s7 =	simm.s32 @p2 $0x1082  }
0x22: {  	[simem:s7], [sflag:s8] =	dma.local @!p0 [hbm:s6], $0xF7A  }
0x23: {  	s9 =	sor.u32 $0xD0000000, s2;
	s6 =	simm.s32 $0x108;
	_ =	swait.ge @!p0 [sflag:s8], $0x0  }
0x24: {  	s3 =	sadd.s32 $0x88, s3;
	s6 =	simm.s32 @!p1 $0x1082;
	[sflag:s4] =	ssyncset.s32 $0xFFFFF086  }
0x25: {  	[simem:s6], [sflag:s4] =	dma.local [hbm:s3], $0xF7A  }
0x26: {  	[smem:$0x3F9D] =	sst s1;
	(tag) =	ssettag s2;
	_ =	strace s9  }
0x27: {  	s1 =	sld [smem:$0x3FAD]  }
0x28: {  	s2 =	sld [smem:$0x3FAE]  }
0x29: {  	s4 =	sld [smem:$0x3FB0]  }
0x2a: {  	p0 =	seq.s32 s5, $0x0;
	s5 =	sld [smem:$0x3FB1]  }
0x2b: {  	s6 =	sld [smem:$0x3FB2]  }
0x2c: {  	s7 =	sld [smem:$0x3FB3]  }
0x2d: {  	s3 =	simm.s32 $0x108;
	s8 =	sld [smem:$0x3FB4]  }
0x2e: {  	s3 =	simm.s32 @!p0 $0x1082;
	s9 =	sld [smem:$0x3FB5]  }
0x2f: {  	lr =	sadd.s32 s0, s3;
	s0 =	sld [smem:$0x3FAC]  }
0x30: {  	s3 =	sld [smem:$0x3FAF]  }
0x31: {  	[smem:$0x3FB8] =	sst s10  }
0x32: {  	s10 =	sld [smem:$0x3FB6];
	_ =	sdelay $0x3  }
0x33: {  	p0 =	seq.s32 s10, $0x1;
	s10 =	sld [smem:$0x3FB8];
	_ =	sdelay $0x3  }
0x34: {  	[smem:$0x3FB8] =	sst s10  }
0x35: {  	s10 =	sld [smem:$0x3FB7];
	_ =	sdelay $0x3  }
0x36: {  	p1 =	seq.s32 s10, $0x1;
	s10 =	sld [smem:$0x3FB8];
	_ =	sdelay $0x3  }
0x37: {  	[smem:$0x3FB8] =	sst s10  }
0x38: {  	s10 =	sld [smem:$0x3FB9]  }
0x39: {  	_ = 	snop;
	(pc) =	sbr.ind lr, $3  }
0x3a: {  	_ = 	snop  }
0x3b: {  	_ = 	snop  }
0x3c: {  	p2 =	seq.s32 s10, $0x1;
	s10 =	sld [smem:$0x3FB8]  }
0x3d: {  	_ =	shalt  }
0x3e: {  	_ =	shalt  }
0x3f: {  	_ =	shalt  }
0x40: {  	_ =	shalt  }
0x41: {  	_ =	shalt  }
0x42: {  	_ =	shalt  }
0x43: {  	_ =	shalt  }
0x44: {  	_ =	shalt  }
0x45: {  	_ =	shalt  }
0x46: {  	_ =	shalt  }
0x47: {  	_ =	shalt  }
0x48: {  	_ =	shalt  }
0x49: {  	_ =	shalt  }
0x4a: {  	_ =	shalt  }
0x4b: {  	_ =	shalt  }
0x4c: {  	_ =	shalt  }
0x4d: {  	_ =	shalt  }
0x4e: {  	_ =	shalt  }
0x4f: {  	_ =	shalt  }
0x50: {  	_ =	shalt  }
0x51: {  	_ =	shalt  }
0x52: {  	_ =	shalt  }
0x53: {  	_ =	shalt  }
0x54: {  	_ =	shalt  }
0x55: {  	_ =	shalt  }
0x56: {  	_ =	shalt  }
0x57: {  	_ =	shalt  }
0x58: {  	_ =	shalt  }
0x59: {  	_ =	shalt  }
0x5a: {  	_ =	shalt  }
0x5b: {  	_ =	shalt  }
0x5c: {  	_ =	shalt  }
0x5d: {  	_ =	shalt  }
0x5e: {  	_ =	shalt  }
0x5f: {  	_ =	shalt  }
0x60: {  	_ =	shalt  }
0x61: {  	_ =	shalt  }
0x62: {  	_ =	shalt  }
0x63: {  	_ =	shalt  }
0x64: {  	_ =	shalt  }
0x65: {  	_ =	shalt  }
0x66: {  	_ =	shalt  }
0x67: {  	_ =	shalt  }
0x68: {  	_ =	shalt  }
0x69: {  	_ =	shalt  }
0x6a: {  	_ =	shalt  }
0x6b: {  	_ =	shalt  }
0x6c: {  	_ =	shalt  }
0x6d: {  	_ =	shalt  }
0x6e: {  	_ =	shalt  }
0x6f: {  	_ =	shalt  }
0x70: {  	_ =	shalt  }
0x71: {  	_ =	shalt  }
0x72: {  	_ =	shalt  }
0x73: {  	_ =	shalt  }
0x74: {  	_ =	shalt  }
0x75: {  	_ =	shalt  }
0x76: {  	_ =	shalt  }
0x77: {  	_ =	shalt  }
0x78: {  	_ =	shalt  }
0x79: {  	_ =	shalt  }
0x7a: {  	_ =	shalt  }
0x7b: {  	_ =	shalt  }
0x7c: {  	_ =	shalt  }
0x7d: {  	_ =	shalt  }
0x7e: {  	_ =	shalt  }
0x7f: {  	_ =	shalt  }
0x80: {  	_ =	shalt  }
0x81: {  	_ =	shalt  }
0x82: {  	_ =	shalt  }
0x83: {  	_ =	shalt  }
0x84: {  	_ =	shalt  }
0x85: {  	_ =	shalt  }
0x86: {  	_ =	shalt  }
0x87: {  	_ =	shalt  }
.Lfunc_end0:
.L_simem_size_0:
called_computation_lowered:
.L_overlay_start_0:
0x88: {  	s2 =	sld [smem:$0x3FD9]  }
0x89: {  	s3 =	sld [smem:$0x3FFE];
	_ =	sdelay $0x1  }
0x8a: {  	s1 =	srdreg.scid  }
0x8b: {  	s0 =	sand.u32 $0x1, s1  }
0x8c: {  	s18 =	sshll.u32 s0, $0xA;
	s2 =	sadd.s32 s3, s2  }
0x8d: {  	s2 =	sadd.s32 s2, s18  }
0x8e: {  	[smem:$0x3FC4] =	sst s2  }
0x8f: {  	_ = 	snop  }
0x90: {  	s2 =	sld [smem:$0x3FC9]  }
0x91: {  	s19 =	sld [smem:$0x3FC8]  }
0x92: {  	s4 =	sld [smem:$0x3FC7]  }
0x93: {  	s5 =	sld [smem:$0x3FC6]  }
0x94: {  	s6 =	sld [smem:$0x3FD0];
	(tm) =	ssettm $0x1  }
0x95: {  	s7 =	sld [smem:$0x3FFB];
	_ =	sdelay $0x3  }
0x96: {  	_ =	strace s7  }
0x97: {  	s7 =	sld [smem:$0x3FFC];
	_ =	sdelay $0x3  }
0x98: {  	_ =	strace s7  }
0x99: {  	s7 =	sld [smem:$0x3FFD];
	_ =	sdelay $0x3  }
0x9a: {  	_ =	strace s7  }
0x9b: {  	_ =	strace $0x8FFFFFFF  }
0x9c: {  	s20 =	sld [smem:$0x3FDB];
	_ =	sdelay $0x1  }
0x9d: {  	s8 =	simm.s32 $_scs_section_size  }
0x9e: {  	s9 =	simm.s32 $_size__tile_overlayer_lowered;
	s10 =	simm.s32 $_tile_overlayer_lowered  }
0x9f: {  	s23 =	simm.s32 $0x1BFF;
	s22 =	sshll.u32 s10, $0x1;
	s7 =	sadd.s32 s8, s20  }
0xa0: {  	s11 =	simm.s32 $0x0;
	s21 =	sshll.u32 s9, $0x1;
	s9 =	sadd.s32 s22, s7  }
0xa1: {  	[timem:s11], [sflag:s23] =	dma.local [hbm:s9], s21  }
0xa2: {  	_ =	swait.ge [sflag:s23], s21  }
0xa3: {  	s8 =	ssub.s32 $0x0, s21;
	[sflag:s23] =	ssyncset.done $0x0  }
0xa4: {  	[sflag:s23] =	ssyncadd.s32 s8;
	_ =	sdelay $0x1  }
0xa5: {  	s24 =	simm.s32 $0x1B8B  }
0xa6: {  	_ =	swait.ge [sflag:s24], $0x1  }
0xa7: {  	[sflag:s24] =	ssyncset.done $0x0  }
0xa8: {  	s25 =	simm.s32 $0x1B8E;
	[sflag:s24] =	ssyncadd.s32 $0xFFFFFFFF  }
0xa9: {  	s26 =	simm.s32 $execute0_lowered;
	[smem:$0x3FD2] =	sst s25  }
0xaa: {  	s8 =	sshll.u32 s26, $0x1;
	_ =	strace $0x80000046;
	[dreg:$0x1] =	wrdreg $0xFFFFFFFF  }
0xab: {  	s28 =	simm.s32 $_size_execute0_lowered;
	s7 =	sadd.s32 s7, s8;
	[dreg:$0x0] =	wrdreg $0x0  }
0xac: {  	s8 =	sshll.u32 s28, $0x1;
	[dreg:$0x2] =	wrdreg s7  }
0xad: {  	[dreg:$0x3] =	wrdreg s8  }
0xae: {  	[dreg:$0x4] =	wrdreg $0xC0  }
0xaf: {  	_ =	task [dreg:s11], $0x5FFFF  }
0xb0: {  	[dreg:$0x1] =	wrdreg $0xFFFFFFFF  }
0xb1: {  	[dreg:$0x0] =	wrdreg $0x60  }
0xb2: {  	[dreg:$0x2] =	wrdreg s2  }
0xb3: {  	[dreg:$0x3] =	wrdreg s19  }
0xb4: {  	[dreg:$0x4] =	wrdreg s4  }
0xb5: {  	[dreg:$0x5] =	wrdreg s5  }
0xb6: {  	[dreg:$0x6] =	wrdreg s6  }
0xb7: {  	[dreg:$0x7] =	wrdreg $0x9  }
0xb8: {  	_ =	task.clear_ibuf [dreg:s11], $0x8FFFF;
	_ =	strace $0x90000046  }
0xb9: {  	s29 =	simm.s32 $0x9;
	_ =	strace $0x80000048  }
0xba: {  	_ =	swait.ge [sflag:s29], $0x1  }
0xbb: {  	[sflag:s29] =	ssyncadd.s32 $0xFFFFFFFF  }
0xbc: {  	_ =	strace $0x90000048  }
0xbd: {  	_ =	sfence  }
0xbe: {  	s30 =	sld [smem:$0x0];
	_ =	sdelay $0x2  }
0xbf: {  	s31 =	sshll.u32 s1, $0xD;
	s1 =	sshrl.u32 s1, $0x2  }
0xc0: {  	s3 =	sand.u32 $0x4000, s31;
	s1 =	sadd.s32 s1, s30  }
0xc1: {  	s0 =	sor.u32 s3, s0;
	s1 =	sshll.u32 s1, $0x11  }
0xc2: {  	s0 =	sor.u32 s1, s0  }
0xc3: {  	s0 =	sadd.s32 $0x8F2B, s0  }
0xc4: {  	[sflag:s0] =	ssyncadd.remote.s32 $0x1  }
0xc5: {  	_ =	sfence.sel $0xFFFF  }
0xc6: {  	[dreg:$0x0] =	wrdreg $0xFFFFFFFF;
	(pc) =	sbr.abs _section_cstart, $3  }
0xc7: {  	[dreg:$0x1] =	wrdreg $0xFFFFFFFF  }
0xc8: {  	_ =	task.clear_ibuf [dreg:s11], $0x2FFFF;
	_ =	strace $0x9FFFFFFF  }
0xc9: {  	(tm) =	ssettm $0x7FFFFFFF  }
tec
execute0_lowered:
.L_overlay_start_1:
0x0: {  	(tag) =	ssettag $0x1  }
0x1: {  	s0 =	rddreg [dreg:$0x0]  }
0x2: {  	s3 =	rddreg [dreg:$0x1]  }
0x3: {  	s1 =	rddreg [dreg:$0x2]  }
0x4: {  	s2 =	rddreg [dreg:$0x3]  }
0x5: {  	s10 =	rddreg [dreg:$0x4]  }
0x6: {  	s5 =	srdreg.scid;
	s4 =	simm.s32 $0x0;
	s8 =	stileid.u32;
	v0 =	vimm.s32 $0xFEDCBA98;
	v1 =	vimm.s32 $0x76543210  }
0x7: {  	s13 =	simm.s32 $0x400;
	s14 =	simm.s32 $0xC400;
	s15 =	simm.s32 $0x240;
	v2 =	vimm.s32 $0xBA98FEDC  }
0x8: {  	v3 =	vimm.s32 $0x32107654;
	v4 =	vimm.s32 $0xDCFE98BA;
	s19 =	simm.s32 $0x4400;
	s20 =	simm.s32 $0x10400;
	s22 =	simm.s32 $0x4  }
0x9: {  	s23 =	simm.s32 $0x40;
	s24 =	simm.s32 $0x80;
	v5 =	vimm.s32 $0x54761032;
	v6 =	vimm.s32 $0xEFCDAB89;
	v7 =	vimm.s32 $0x67452301;
	s28 =	simm.s32 $0x1  }
0xa: {  	s29 =	simm.s32 $0x18400;
	s26 =	simm.s32 $0x3;
	s5 =	sand.u32 $0x1, s5;
	v0 =	vunpack.c.l.s4.s8 v0;
	v1 =	vunpack.c.l.s4.s8 v1;
	v2 =	vunpack.c.l.s4.s8 v2  }
0xb: {  	s21 =	simm.s32 $0x0;
	[smem:$0x7FF] =	sst s4;
	v3 =	vunpack.c.l.s4.s8 v3;
	v4 =	vunpack.c.l.s4.s8 v4;
	v5 =	vunpack.c.l.s4.s8 v5;
	s6 =	ssub.s32 $0x2, s5  }
0xc: {  	s8 =	sshll.u32 s8, $0x7;
	v6 =	vunpack.c.l.s4.s8 v6;
	v7 =	vunpack.c.l.s4.s8 v7;
	s5 =	sshll.u32 s5, $0x6;
	s7 =	sshrl.u32 s6, $0x1;
	v0 =	vunpack.c.0.s8.s32 v0  }
0xd: {  	_ =	strace $0x80000047;
	s9 =	sor.u32 s5, s8;
	v1 =	vunpack.c.0.s8.s32 v1;
	v2 =	vunpack.c.0.s8.s32 v2;
	v3 =	vunpack.c.0.s8.s32 v3;
	s12 =	ssub.s32 s6, s7  }
0xe: {  	v6 =	vunpack.c.0.s8.s32 v6;
	v7 =	vunpack.c.0.s8.s32 v7;
	s5 =	sadd.s32 s0, s9;
	s6 =	sadd.s32 s3, s9;
	s11 =	sor.u32 $0x8, s9;
	v0 =	vand.u32 $0xF, v0  }
0xf: {  	v4 =	vunpack.c.0.s8.s32 v4;
	v5 =	vunpack.c.0.s8.s32 v5;
	s9 =	sadd.s32 s10, s9;
	s7 =	sadd.s32 s0, s11;
	s8 =	sadd.s32 s3, s11;
	v0 =	vcombine.low v0, v1  }
0x10: {  	s10 =	sadd.s32 s10, s11;
	s11 =	sadd.s32 $0x10, s9;
	s16 =	sadd.s32 $0x20, s9;
	v1 =	vcombine.low v3, v2;
	v3 =	vcombine.low v7, v6  }
0x11: {  	s17 =	sadd.s32 $0x30, s9;
	s18 =	smax.u32 s12, $0x1;
	s0 =	simm.s32 $0x2;
	v2 =	vcombine.low v5, v4;
	v4 =	vlaneseq.u32  }
.LBB2_1:
0x12: {  	[tilespmem:s4], [sflag:$0x4] =	stream.linear.gather [hbm4b:s5+s4], $0x40, $0x38;
	[tilespmem:$0x18600] =	vst v63  }
0x13: {  	s3 =	simm.s32 $0x200  }
0x14: {  	[tilespmem:s3], [sflag:$0x4] =	stream.linear.gather [hbm4b:s6+s4], $0x40, $0x38;
	[tilespmem:$0x18600] =	vst v63  }
0x15: {  	_ =	swait.ge [sflag:s22], $0x40  }
0x16: {  	[sflag:s22] =	ssyncset.done $0x0  }
0x17: {  	[sflag:s22] =	ssyncadd.s32 $0xFFFFFFC0  }
0x18: {  	_ =	swait.ge [sflag:s22], $0x40  }
0x19: {  	[sflag:s22] =	ssyncset.done $0x0  }
0x1a: {  	[sflag:s22] =	ssyncadd.s32 $0xFFFFFFC0  }
0x1b: {  	[tilespmem:s13], [sflag:$0x1] =	stream.indirect.gather [hbm4b:s1+s23], $0x80, s4, s23, $0xb8;
	[tilespmem:$0x18600] =	vst v63  }
0x1c: {  	_ = 	snop  }
0x1d: {  	[tilespmem:s14], [sflag:$0x1] =	stream.indirect.gather [hbm4b:s2+s23], $0x80, s3, s23, $0xb8;
	[tilespmem:$0x18600] =	vst v63  }
0x1e: {  	_ = 	snop  }
0x1f: {  	[tilespmem:s23], [sflag:$0x4] =	stream.linear.gather [hbm4b:s7+s4], $0x1C0, $0x38;
	[tilespmem:$0x18600] =	vst v63  }
0x20: {  	_ = 	snop  }
0x21: {  	[tilespmem:s15], [sflag:$0x4] =	stream.linear.gather [hbm4b:s8+s4], $0x1C0, $0x38;
	[tilespmem:$0x18600] =	vst v63  }
0x22: {  	_ =	swait.ge [sflag:s22], $0x1C0  }
0x23: {  	[sflag:s22] =	ssyncset.done $0x0  }
0x24: {  	[sflag:s22] =	ssyncadd.s32 $0xFFFFFE40  }
0x25: {  	_ =	swait.ge [sflag:s22], $0x1C0  }
0x26: {  	[sflag:s22] =	ssyncset.done $0x0  }
0x27: {  	[sflag:s22] =	ssyncadd.s32 $0xFFFFFE40  }
0x28: {  	[tilespmem:s19], [sflag:$0x2] =	stream.indirect.gather [hbm4b:s1+s23], $0x80, s23, s23, $0xb8;
	[tilespmem:$0x18600] =	vst v63  }
0x29: {  	_ = 	snop  }
0x2a: {  	[tilespmem:s20], [sflag:$0x2] =	stream.indirect.gather [hbm4b:s2+s23], $0x80, s15, s23, $0xb8;
	[tilespmem:$0x18600] =	vst v63  }
0x2b: {  	s12 =	simm.s32 $0x8400  }
0x2c: {  	[tilespmem:s12], [sflag:$0x3] =	stream.indirect.gather [hbm4b:s1+s24], $0x80, s24, s24, $0xb8;
	[tilespmem:$0x18600] =	vst v63  }
0x2d: {  	s25 =	simm.s32 $0x280;
	s12 =	simm.s32 $0x14400  }
0x2e: {  	[tilespmem:s12], [sflag:$0x3] =	stream.indirect.gather [hbm4b:s2+s24], $0x80, s25, s24, $0xb8;
	[tilespmem:$0x18600] =	vst v63  }
0x2f: {  	_ =	swait.ge [sflag:s28], $0x2000  }
0x30: {  	[sflag:s28] =	ssyncset.done $0x0  }
0x31: {  	[sflag:s28] =	ssyncadd.s32 $0xFFFFE000  }
0x32: {  	_ =	swait.ge [sflag:s28], $0x2000  }
0x33: {  	[sflag:s28] =	ssyncset.done $0x0  }
0x34: {  	s12 =	simm.s32 $0x440;
	[sflag:s28] =	ssyncadd.s32 $0xFFFFE000  }
0x35: {  	s25 =	simm.s32 $0xC440;
	v5 =	vld [tilespmem:s12+$0xFFFFFFC0]  }
0x36: {  	v6 =	vld [tilespmem:s25+$0xFFFFFFC0]  }
0x37: {  	v7 =	vld [tilespmem:s12+$0xFFFFFFD0]  }
0x38: {  	v8 =	vld [tilespmem:s25+$0xFFFFFFD0]  }
0x39: {  	v9 =	vld [tilespmem:s12+$0xFFFFFFE0]  }
0x3a: {  	v10 =	vld [tilespmem:s25+$0xFFFFFFE0]  }
0x3b: {  	v11 =	vld [tilespmem:s12+$0xFFFFFFF0]  }
0x3c: {  	v12 =	vld [tilespmem:s25+$0xFFFFFFF0]  }
0x3d: {  	v13 =	vld [tilespmem:s12+$0x0];
	v5 =	vmul.f32 v6, v5;
	v6 =	vmul.f32 v8, v7  }
0x3e: {  	v7 =	vld [tilespmem:s25+$0x0]  }
0x3f: {  	v8 =	vld [tilespmem:s12+$0x10];
	v5 =	vadd.f32 v6, v5;
	v6 =	vmul.f32 v10, v9  }
0x40: {  	v9 =	vld [tilespmem:s25+$0x10]  }
0x41: {  	v10 =	vld [tilespmem:s12+$0x20];
	v5 =	vadd.f32 v6, v5;
	v6 =	vmul.f32 v12, v11  }
0x42: {  	v11 =	vld [tilespmem:s25+$0x20]  }
0x43: {  	v12 =	vld [tilespmem:s12+$0x30];
	v5 =	vadd.f32 v6, v5;
	v6 =	vmul.f32 v7, v13  }
0x44: {  	s12 =	simm.s32 $0x4C0;
	v7 =	vld [tilespmem:s25+$0x30]  }
0x45: {  	v13 =	vld [tilespmem:s12+$0xFFFFFFC0];
	s25 =	simm.s32 $0xC4C0;
	v5 =	vadd.f32 v6, v5;
	v6 =	vmul.f32 v9, v8  }
0x46: {  	v8 =	vld [tilespmem:s25+$0xFFFFFFC0]  }
0x47: {  	v9 =	vld [tilespmem:s12+$0xFFFFFFD0];
	v5 =	vadd.f32 v6, v5;
	v6 =	vmul.f32 v11, v10  }
0x48: {  	v10 =	vld [tilespmem:s25+$0xFFFFFFD0]  }
0x49: {  	v11 =	vld [tilespmem:s12+$0xFFFFFFE0];
	v5 =	vadd.f32 v6, v5;
	v6 =	vmul.f32 v7, v12  }
0x4a: {  	v7 =	vld [tilespmem:s25+$0xFFFFFFE0]  }
0x4b: {  	v12 =	vld [tilespmem:s12+$0xFFFFFFF0];
	v5 =	vadd.f32 v6, v5  }
0x4c: {  	v8 =	vmul.f32 v8, v13;
	v6 =	vld [tilespmem:s25+$0xFFFFFFF0]  }
0x4d: {  	v14 =	vld [tilespmem:s25+$0x0];
	v9 =	vmul.f32 v10, v9;
	v13 =	vperm.xlane v5, v0  }
0x4e: {  	v10 =	vld [tilespmem:s12+$0x0]  }
0x4f: {  	v8 =	vadd.f32 v9, v8;
	v7 =	vmul.f32 v7, v11;
	v11 =	vld [tilespmem:s12+$0x10];
	v5 =	vadd.f32 v5, v13  }
0x50: {  	v13 =	vld [tilespmem:s25+$0x10]  }
0x51: {  	v15 =	vld [tilespmem:s12+$0x20];
	v7 =	vadd.f32 v7, v8;
	v6 =	vmul.f32 v6, v12;
	v8 =	vperm.xlane v5, v1  }
0x52: {  	v16 =	vld [tilespmem:s25+$0x20]  }
0x53: {  	v10 =	vmul.f32 v14, v10;
	v7 =	vadd.f32 v6, v7;
	v6 =	vld [tilespmem:s12+$0x30];
	v5 =	vadd.f32 v5, v8  }
0x54: {  	s31 =	simm.s32 $0x540;
	v8 =	vld [tilespmem:s25+$0x30]  }
0x55: {  	v9 =	vld [tilespmem:s31+$0xFFFFFFC0];
	v7 =	vadd.f32 v10, v7;
	v10 =	vmul.f32 v13, v11;
	v14 =	vperm.xlane v5, v2  }
0x56: {  	s3 =	simm.s32 $0xC540;
	v12 =	vld [tilespmem:s31+$0xFFFFFFD0]  }
0x57: {  	v13 =	vld [tilespmem:s3+$0xFFFFFFC0];
	v11 =	vmul.f32 v16, v15;
	v10 =	vadd.f32 v10, v7;
	v7 =	vadd.f32 v5, v14  }
0x58: {  	s30 =	simm.s32 $0x1;
	s12 =	simm.s32 $0x3;
	s25 =	simm.s32 $0x2;
	v14 =	vld [tilespmem:s3+$0xFFFFFFD0];
	v5 =	vadd.s32 s4, v4  }
.LBB2_2:
0x59: {  	p0 =	sne.s32 s12, $0x3F;
	v15 =	vld [tilespmem:s31+$0xFFFFFFE0];
	v10 =	vadd.f32 v11, v10;
	v6 =	vmul.f32 v8, v6;
	v8 =	vperm.xlane v7, v3  }
0x5a: {  	v11 =	vld [tilespmem:s3+$0xFFFFFFE0]  }
0x5b: {  	v16 =	vld [tilespmem:s31+$0xFFFFFFF0];
	v6 =	vadd.f32 v6, v10;
	v7 =	vadd.f32 v7, v8  }
0x5c: {  	v8 =	vmul.f32 v13, v9;
	v9 =	vld [tilespmem:s3+$0xFFFFFFF0]  }
0x5d: {  	v10 =	vmul.f32 v14, v12;
	v12 =	vld [tilespmem:s31+$0x0];
	v13 =	vperm.xlane v6, v0;
	[tilespmem:v5+s29+$0x0] =	vst.idx.msk $0x1, v7  }
0x5e: {  	v5 =	vld [tilespmem:s3+$0x0]  }
0x5f: {  	v7 =	vadd.f32 v10, v8;
	v8 =	vmul.f32 v11, v15;
	v10 =	vld [tilespmem:s31+$0x10];
	v11 =	vadd.f32 v6, v13  }
0x60: {  	v13 =	vld [tilespmem:s3+$0x10]  }
0x61: {  	v6 =	vadd.f32 v8, v7;
	v7 =	vmul.f32 v9, v16;
	v14 =	vld [tilespmem:s31+$0x20];
	v8 =	vperm.xlane v11, v1  }
0x62: {  	v15 =	vld [tilespmem:s3+$0x20]  }
0x63: {  	v7 =	vadd.f32 v7, v6;
	v5 =	vmul.f32 v5, v12;
	v6 =	vld [tilespmem:s31+$0x30];
	v16 =	vadd.f32 v11, v8  }
.Ltmp0:
0x64: {  	s31 =	sadd.s32 $0x80, s31;
	v8 =	vld [tilespmem:s3+$0x30];
	(pc) =	sbr.rel @p0 .LBB2_2-.Ltmp0, $4  }
0x65: {  	s3 =	sadd.s32 $0x80, s3;
	v9 =	vld [tilespmem:s31+$0xFFFFFFC0];
	v5 =	vadd.f32 v5, v7;
	v7 =	vmul.f32 v13, v10;
	v17 =	vperm.xlane v16, v2  }
0x66: {  	v13 =	vld [tilespmem:s3+$0xFFFFFFC0]  }
0x67: {  	v12 =	vld [tilespmem:s31+$0xFFFFFFD0];
	v10 =	vadd.f32 v7, v5;
	v11 =	vmul.f32 v15, v14;
	v7 =	vadd.f32 v16, v17  }
0x68: {  	v5 =	vadd.s32 s30, v4;
	s30 =	smov.u32 s25;
	s25 =	smov.u32 s12;
	s12 =	sadd.s32 $0x1, s12;
	v14 =	vld [tilespmem:s3+$0xFFFFFFD0]  }
0x69: {  	v15 =	vld [tilespmem:s31+$0xFFFFFFE0]  }
0x6a: {  	v16 =	vld [tilespmem:s3+$0xFFFFFFE0]  }
0x6b: {  	v17 =	vld [tilespmem:s31+$0xFFFFFFF0]  }
0x6c: {  	v18 =	vld [tilespmem:s3+$0xFFFFFFF0]  }
0x6d: {  	v9 =	vmul.f32 v13, v9;
	v13 =	vld [tilespmem:s31+$0x0];
	v12 =	vmul.f32 v14, v12  }
0x6e: {  	v14 =	vld [tilespmem:s3+$0x0]  }
0x6f: {  	v60 =	vld [tilespmem:s3+$0x10];
	v9 =	vadd.f32 v12, v9;
	v12 =	vmul.f32 v16, v15  }
0x70: {  	v15 =	vld [tilespmem:s31+$0x10]  }
0x71: {  	v61 =	vld [tilespmem:s31+$0x20];
	v9 =	vadd.f32 v12, v9;
	v12 =	vmul.f32 v18, v17  }
0x72: {  	v62 =	vld [tilespmem:s3+$0x20]  }
0x73: {  	v9 =	vadd.f32 v12, v9;
	v12 =	vmul.f32 v14, v13;
	v13 =	vld [tilespmem:s31+$0x30]  }
0x74: {  	v14 =	vld [tilespmem:s3+$0x30]  }
0x75: {  	v9 =	vadd.f32 v12, v9;
	v12 =	vmul.f32 v60, v15;
	_ =	sdelay $0x1  }
0x76: {  	v9 =	vadd.f32 v12, v9;
	v12 =	vmul.f32 v62, v61  }
0x77: {  	v10 =	vadd.f32 v11, v10;
	v6 =	vmul.f32 v8, v6  }
0x78: {  	v8 =	vadd.f32 v12, v9;
	v9 =	vmul.f32 v14, v13  }
0x79: {  	v6 =	vadd.f32 v6, v10  }
0x7a: {  	v8 =	vadd.f32 v9, v8  }
0x7b: {  	v9 =	vperm.xlane v6, v0  }
0x7c: {  	v10 =	vperm.xlane v8, v0  }
0x7d: {  	v6 =	vadd.f32 v6, v9  }
0x7e: {  	v8 =	vadd.f32 v8, v10  }
0x7f: {  	v9 =	vperm.xlane v6, v1  }
0x80: {  	v10 =	vperm.xlane v8, v1  }
0x81: {  	v6 =	vadd.f32 v6, v9  }
0x82: {  	v8 =	vadd.f32 v8, v10  }
0x83: {  	v9 =	vperm.xlane v6, v2  }
0x84: {  	v10 =	vperm.xlane v8, v2  }
0x85: {  	v6 =	vadd.f32 v6, v9  }
0x86: {  	v11 =	vadd.s32 s30, v4;
	v9 =	vperm.xlane v7, v3;
	v8 =	vadd.f32 v8, v10  }
0x87: {  	v12 =	vadd.s32 s25, v4;
	v10 =	vperm.xlane v6, v3  }
0x88: {  	v7 =	vadd.f32 v7, v9;
	v9 =	vperm.xlane v8, v3  }
0x89: {  	v6 =	vadd.f32 v6, v10  }
0x8a: {  	[tilespmem:v5+s29+$0x0] =	vst.idx.msk $0x1, v7;
	v5 =	vadd.f32 v8, v9  }
0x8b: {  	[tilespmem:v11+s29+$0x0] =	vst.idx.msk $0x1, v6  }
0x8c: {  	s12 =	simm.s32 $0x0;
	[tilespmem:v12+s29+$0x0] =	vst.idx.msk $0x1, v5  }
0x8d: {  	[hbm4b:s9+s12] =	stream.linear.scatter [tilespmem:s29], [sflag:$0x4], $0x40, $0x38;
	[tilespmem:$0x18600] =	vst v63  }
0x8e: {  	s25 =	simm.s32 $0x100  }
0x8f: {  	[tilespmem:s13], [sflag:$0x1] =	stream.indirect.gather [hbm4b:s1+s24], $0x80, s25, s24, $0xb8;
	[tilespmem:$0x18600] =	vst v63  }
0x90: {  	s30 =	simm.s32 $0x300  }
0x91: {  	[tilespmem:s14], [sflag:$0x1] =	stream.indirect.gather [hbm4b:s2+s24], $0x80, s30, s24, $0xb8;
	[tilespmem:$0x18600] =	vst v63  }
0x92: {  	_ =	swait.ge [sflag:s0], $0x2000  }
0x93: {  	[sflag:s0] =	ssyncset.done $0x0  }
0x94: {  	[sflag:s0] =	ssyncadd.s32 $0xFFFFE000  }
0x95: {  	_ =	swait.ge [sflag:s0], $0x2000  }
0x96: {  	[sflag:s0] =	ssyncset.done $0x0  }
0x97: {  	s31 =	simm.s32 $0x0;
	[sflag:s0] =	ssyncadd.s32 $0xFFFFE000  }
0x98: {  	v5 =	vld [tilespmem:s31+$0x4400]  }
0x99: {  	v6 =	vld [tilespmem:s31+$0x10400]  }
0x9a: {  	v7 =	vld [tilespmem:s31+$0x4410]  }
0x9b: {  	v8 =	vld [tilespmem:s31+$0x10410]  }
0x9c: {  	v9 =	vld [tilespmem:s31+$0x4420]  }
0x9d: {  	v10 =	vld [tilespmem:s31+$0x10420]  }
0x9e: {  	v11 =	vld [tilespmem:s31+$0x4430]  }
0x9f: {  	v12 =	vld [tilespmem:s31+$0x10430]  }
0xa0: {  	v5 =	vmul.f32 v6, v5;
	v6 =	vmul.f32 v8, v7;
	v7 =	vld [tilespmem:s31+$0x4440]  }
0xa1: {  	v8 =	vld [tilespmem:s31+$0x10440]  }
0xa2: {  	v5 =	vadd.f32 v6, v5;
	v6 =	vmul.f32 v10, v9;
	v9 =	vld [tilespmem:s31+$0x4450]  }
0xa3: {  	v10 =	vld [tilespmem:s31+$0x10450]  }
0xa4: {  	v5 =	vadd.f32 v6, v5;
	v6 =	vmul.f32 v12, v11;
	v11 =	vld [tilespmem:s31+$0x4460]  }
0xa5: {  	v12 =	vld [tilespmem:s31+$0x10460]  }
0xa6: {  	v5 =	vadd.f32 v6, v5;
	v6 =	vmul.f32 v8, v7;
	v7 =	vld [tilespmem:s31+$0x4470]  }
0xa7: {  	s12 =	simm.s32 $0x80;
	v8 =	vld [tilespmem:s31+$0x10470]  }
0xa8: {  	v13 =	vld [tilespmem:s12+$0x4400];
	v5 =	vadd.f32 v6, v5;
	v6 =	vmul.f32 v10, v9  }
0xa9: {  	v9 =	vld [tilespmem:s12+$0x10400]  }
0xaa: {  	v10 =	vld [tilespmem:s12+$0x4410];
	v5 =	vadd.f32 v6, v5;
	v6 =	vmul.f32 v12, v11  }
0xab: {  	v11 =	vld [tilespmem:s12+$0x10410]  }
0xac: {  	v12 =	vld [tilespmem:s12+$0x4420];
	v5 =	vadd.f32 v6, v5;
	v6 =	vmul.f32 v8, v7  }
0xad: {  	v7 =	vld [tilespmem:s12+$0x10420]  }
0xae: {  	v8 =	vld [tilespmem:s12+$0x4430];
	v5 =	vadd.f32 v6, v5  }
0xaf: {  	v6 =	vmul.f32 v9, v13;
	v9 =	vld [tilespmem:s12+$0x10430]  }
0xb0: {  	v14 =	vld [tilespmem:s12+$0x10440];
	v10 =	vmul.f32 v11, v10;
	v13 =	vperm.xlane v5, v0  }
0xb1: {  	v11 =	vld [tilespmem:s12+$0x4440]  }
0xb2: {  	v6 =	vadd.f32 v10, v6;
	v7 =	vmul.f32 v7, v12;
	v10 =	vld [tilespmem:s12+$0x4450];
	v12 =	vadd.f32 v5, v13  }
0xb3: {  	v13 =	vld [tilespmem:s12+$0x10450]  }
0xb4: {  	v15 =	vld [tilespmem:s12+$0x4460];
	v5 =	vadd.f32 v7, v6;
	v6 =	vmul.f32 v9, v8;
	v7 =	vperm.xlane v12, v1  }
0xb5: {  	v63 =	vld [tilespmem:s12+$0x10460]  }
0xb6: {  	v9 =	vmul.f32 v14, v11;
	v6 =	vadd.f32 v6, v5;
	v5 =	vld [tilespmem:s12+$0x4470];
	v14 =	vadd.f32 v12, v7  }
0xb7: {  	s3 =	simm.s32 $0x100;
	v7 =	vld [tilespmem:s12+$0x10470]  }
0xb8: {  	v8 =	vld [tilespmem:s3+$0x4400];
	v6 =	vadd.f32 v9, v6;
	v9 =	vmul.f32 v13, v10;
	v13 =	vperm.xlane v14, v2  }
0xb9: {  	v11 =	vld [tilespmem:s3+$0x10400]  }
0xba: {  	s25 =	simm.s32 $0x40;
	v12 =	vld [tilespmem:s3+$0x4410];
	s12 =	simm.s32 $0x600;
	v10 =	vmul.f32 v63, v15;
	v9 =	vadd.f32 v9, v6;
	v6 =	vadd.f32 v14, v13  }
.LBB2_4:
0xbb: {  	p0 =	sne.s32 s12, $0x7E00;
	v13 =	vld [tilespmem:s3+$0x10410];
	v14 =	vadd.s32 s25, v4  }
0xbc: {  	v15 =	vld [tilespmem:s3+$0x4420];
	v9 =	vadd.f32 v10, v9;
	v5 =	vmul.f32 v7, v5;
	v7 =	vperm.xlane v6, v3  }
0xbd: {  	v10 =	vld [tilespmem:s3+$0x10420]  }
0xbe: {  	v16 =	vld [tilespmem:s3+$0x4430];
	v5 =	vadd.f32 v5, v9;
	v6 =	vadd.f32 v6, v7  }
0xbf: {  	v7 =	vmul.f32 v11, v8;
	v8 =	vld [tilespmem:s3+$0x10430]  }
0xc0: {  	v9 =	vmul.f32 v13, v12;
	v11 =	vld [tilespmem:s3+$0x4440];
	v12 =	vperm.xlane v5, v0;
	[tilespmem:v14+s29+$0x0] =	vst.idx.msk $0x1, v6  }
0xc1: {  	v6 =	vld [tilespmem:s3+$0x10440]  }
0xc2: {  	v7 =	vadd.f32 v9, v7;
	v9 =	vmul.f32 v10, v15;
	v10 =	vld [tilespmem:s3+$0x4450];
	v12 =	vadd.f32 v5, v12  }
0xc3: {  	v13 =	vld [tilespmem:s3+$0x10450]  }
0xc4: {  	v5 =	vadd.f32 v9, v7;
	v7 =	vmul.f32 v8, v16;
	v14 =	vld [tilespmem:s3+$0x4460];
	v8 =	vperm.xlane v12, v1  }
0xc5: {  	v15 =	vld [tilespmem:s3+$0x10460]  }
.Ltmp1:
0xc6: {  	v9 =	vadd.f32 v7, v5;
	v6 =	vmul.f32 v6, v11;
	v5 =	vld [tilespmem:s3+$0x4470];
	v16 =	vadd.f32 v12, v8;
	(pc) =	sbr.rel @p0 .LBB2_4-.Ltmp1, $4  }
0xc7: {  	v7 =	vld [tilespmem:s3+$0x10470];
	s3 =	sshra.s32 s12, $0x2  }
0xc8: {  	v8 =	vld [tilespmem:s3+$0x4400];
	v6 =	vadd.f32 v6, v9;
	v9 =	vmul.f32 v13, v10;
	v13 =	vperm.xlane v16, v2  }
0xc9: {  	v11 =	vld [tilespmem:s3+$0x10400]  }
0xca: {  	s25 =	sadd.s32 $0x1, s25;
	s12 =	sadd.s32 $0x200, s12;
	v12 =	vld [tilespmem:s3+$0x4410];
	v9 =	vadd.f32 v9, v6;
	v10 =	vmul.f32 v15, v14;
	v6 =	vadd.f32 v16, v13  }
0xcb: {  	v13 =	vld [tilespmem:s3+$0x10410]  }
0xcc: {  	v14 =	vld [tilespmem:s3+$0x4420]  }
0xcd: {  	v15 =	vld [tilespmem:s3+$0x10420]  }
0xce: {  	v16 =	vld [tilespmem:s3+$0x4430]  }
0xcf: {  	v17 =	vld [tilespmem:s3+$0x10430]  }
0xd0: {  	v8 =	vmul.f32 v11, v8;
	v11 =	vmul.f32 v13, v12;
	v12 =	vld [tilespmem:s3+$0x4440]  }
0xd1: {  	v13 =	vld [tilespmem:s3+$0x10440]  }
0xd2: {  	v8 =	vadd.f32 v11, v8;
	v11 =	vmul.f32 v15, v14;
	v14 =	vld [tilespmem:s3+$0x4450]  }
0xd3: {  	v15 =	vld [tilespmem:s3+$0x10450]  }
0xd4: {  	v62 =	vld [tilespmem:s3+$0x4460];
	v8 =	vadd.f32 v11, v8;
	v11 =	vmul.f32 v17, v16  }
0xd5: {  	v63 =	vld [tilespmem:s3+$0x10460]  }
0xd6: {  	v8 =	vadd.f32 v11, v8;
	v11 =	vmul.f32 v13, v12;
	v12 =	vld [tilespmem:s3+$0x4470]  }
0xd7: {  	v13 =	vld [tilespmem:s3+$0x10470]  }
0xd8: {  	v8 =	vadd.f32 v11, v8;
	v11 =	vmul.f32 v15, v14;
	_ =	sdelay $0x1  }
0xd9: {  	v8 =	vadd.f32 v11, v8;
	v11 =	vmul.f32 v63, v62  }
0xda: {  	v9 =	vadd.f32 v10, v9;
	v5 =	vmul.f32 v7, v5  }
0xdb: {  	v7 =	vadd.f32 v11, v8;
	v8 =	vmul.f32 v13, v12  }
0xdc: {  	v5 =	vadd.f32 v5, v9  }
0xdd: {  	v7 =	vadd.f32 v8, v7  }
0xde: {  	v8 =	vperm.xlane v5, v0  }
0xdf: {  	v9 =	vperm.xlane v7, v0  }
0xe0: {  	v5 =	vadd.f32 v5, v8  }
0xe1: {  	v7 =	vadd.f32 v7, v9  }
0xe2: {  	v8 =	vperm.xlane v5, v1  }
0xe3: {  	v9 =	vperm.xlane v7, v1  }
0xe4: {  	v5 =	vadd.f32 v5, v8  }
0xe5: {  	v7 =	vadd.f32 v7, v9  }
0xe6: {  	v8 =	vperm.xlane v5, v2  }
0xe7: {  	v9 =	vperm.xlane v7, v2  }
0xe8: {  	s30 =	sadd.s32 $0x1, s25;
	v10 =	vadd.s32 s25, v4;
	v5 =	vadd.f32 v5, v8  }
0xe9: {  	s3 =	sadd.s32 $0x1, s30;
	v11 =	vadd.s32 s30, v4;
	v8 =	vperm.xlane v6, v3;
	v7 =	vadd.f32 v7, v9  }
0xea: {  	v12 =	vadd.s32 s3, v4;
	v9 =	vperm.xlane v5, v3  }
0xeb: {  	v6 =	vadd.f32 v6, v8;
	v8 =	vperm.xlane v7, v3  }
0xec: {  	v5 =	vadd.f32 v5, v9  }
0xed: {  	[tilespmem:v10+s29+$0x0] =	vst.idx.msk $0x1, v6;
	v6 =	vadd.f32 v7, v8  }
0xee: {  	[tilespmem:v11+s29+$0x0] =	vst.idx.msk $0x1, v5  }
0xef: {  	[tilespmem:v12+s29+$0x0] =	vst.idx.msk $0x1, v6  }
0xf0: {  	_ =	swait.ge [sflag:s22], $0x40  }
0xf1: {  	[sflag:s22] =	ssyncset.done $0x0  }
0xf2: {  	s31 =	simm.s32 $0x0;
	s12 =	simm.s32 $0x18440;
	[sflag:s22] =	ssyncadd.s32 $0xFFFFFFC0  }
0xf3: {  	[hbm4b:s10+s31] =	stream.linear.scatter [tilespmem:s12], [sflag:$0x4], $0x40, $0x38;
	[tilespmem:$0x18600] =	vst v63  }
0xf4: {  	s25 =	simm.s32 $0x80;
	s12 =	simm.s32 $0x180  }
0xf5: {  	[tilespmem:s19], [sflag:$0x2] =	stream.indirect.gather [hbm4b:s1+s25], $0x80, s12, s25, $0xb8;
	[tilespmem:$0x18600] =	vst v63  }
0xf6: {  	s13 =	simm.s32 $0x380  }
0xf7: {  	[tilespmem:s20], [sflag:$0x2] =	stream.indirect.gather [hbm4b:s2+s25], $0x80, s13, s25, $0xb8;
	[tilespmem:$0x18600] =	vst v63  }
0xf8: {  	_ =	swait.ge [sflag:s26], $0x4000  }
0xf9: {  	[sflag:s26] =	ssyncset.done $0x0  }
0xfa: {  	[sflag:s26] =	ssyncadd.s32 $0xFFFFC000  }
0xfb: {  	_ =	swait.ge [sflag:s26], $0x4000  }
0xfc: {  	[sflag:s26] =	ssyncset.done $0x0  }
0xfd: {  	s30 =	simm.s32 $0x0;
	[sflag:s26] =	ssyncadd.s32 $0xFFFFC000  }
0xfe: {  	v5 =	vld [tilespmem:s30+$0x8400]  }
0xff: {  	v6 =	vld [tilespmem:s30+$0x14400]  }
0x100: {  	v7 =	vld [tilespmem:s30+$0x8410]  }
0x101: {  	v8 =	vld [tilespmem:s30+$0x14410]  }
0x102: {  	v9 =	vld [tilespmem:s30+$0x8420]  }
0x103: {  	v10 =	vld [tilespmem:s30+$0x14420]  }
0x104: {  	v11 =	vld [tilespmem:s30+$0x8430]  }
0x105: {  	v12 =	vld [tilespmem:s30+$0x14430]  }
0x106: {  	v5 =	vmul.f32 v6, v5;
	v6 =	vmul.f32 v8, v7;
	v7 =	vld [tilespmem:s30+$0x8440]  }
0x107: {  	v8 =	vld [tilespmem:s30+$0x14440]  }
0x108: {  	v5 =	vadd.f32 v6, v5;
	v6 =	vmul.f32 v10, v9;
	v9 =	vld [tilespmem:s30+$0x8450]  }
0x109: {  	v10 =	vld [tilespmem:s30+$0x14450]  }
0x10a: {  	v5 =	vadd.f32 v6, v5;
	v6 =	vmul.f32 v12, v11;
	v11 =	vld [tilespmem:s30+$0x8460]  }
0x10b: {  	v12 =	vld [tilespmem:s30+$0x14460]  }
0x10c: {  	v5 =	vadd.f32 v6, v5;
	v6 =	vmul.f32 v8, v7;
	v7 =	vld [tilespmem:s30+$0x8470]  }
0x10d: {  	s31 =	simm.s32 $0x80;
	v8 =	vld [tilespmem:s30+$0x14470]  }
0x10e: {  	v13 =	vld [tilespmem:s31+$0x8400];
	v5 =	vadd.f32 v6, v5;
	v6 =	vmul.f32 v10, v9  }
0x10f: {  	v9 =	vld [tilespmem:s31+$0x14400]  }
0x110: {  	v10 =	vld [tilespmem:s31+$0x8410];
	v5 =	vadd.f32 v6, v5;
	v6 =	vmul.f32 v12, v11  }
0x111: {  	v11 =	vld [tilespmem:s31+$0x14410]  }
0x112: {  	v12 =	vld [tilespmem:s31+$0x8420];
	v5 =	vadd.f32 v6, v5;
	v6 =	vmul.f32 v8, v7  }
0x113: {  	v7 =	vld [tilespmem:s31+$0x14420]  }
0x114: {  	v8 =	vld [tilespmem:s31+$0x8430];
	v5 =	vadd.f32 v6, v5  }
0x115: {  	v6 =	vmul.f32 v9, v13;
	v9 =	vld [tilespmem:s31+$0x14430]  }
0x116: {  	v14 =	vld [tilespmem:s31+$0x14440];
	v10 =	vmul.f32 v11, v10;
	v13 =	vperm.xlane v5, v0  }
0x117: {  	v11 =	vld [tilespmem:s31+$0x8440]  }
0x118: {  	v6 =	vadd.f32 v10, v6;
	v7 =	vmul.f32 v7, v12;
	v10 =	vld [tilespmem:s31+$0x8450];
	v5 =	vadd.f32 v5, v13  }
0x119: {  	v12 =	vld [tilespmem:s31+$0x14450]  }
0x11a: {  	v15 =	vld [tilespmem:s31+$0x14460];
	v6 =	vadd.f32 v7, v6;
	v7 =	vmul.f32 v9, v8;
	v8 =	vperm.xlane v5, v1  }
0x11b: {  	v13 =	vld [tilespmem:s31+$0x8460]  }
0x11c: {  	v11 =	vmul.f32 v14, v11;
	v9 =	vadd.f32 v7, v6;
	v6 =	vld [tilespmem:s31+$0x8470];
	v5 =	vadd.f32 v5, v8  }
0x11d: {  	s3 =	simm.s32 $0x100;
	v7 =	vld [tilespmem:s31+$0x14470]  }
0x11e: {  	v8 =	vld [tilespmem:s3+$0x8400];
	v10 =	vmul.f32 v12, v10;
	v9 =	vadd.f32 v11, v9;
	v14 =	vperm.xlane v5, v2  }
0x11f: {  	v12 =	vld [tilespmem:s3+$0x14400]  }
0x120: {  	s12 =	simm.s32 $0x600;
	v11 =	vld [tilespmem:s3+$0x8410];
	v9 =	vadd.f32 v10, v9;
	v10 =	vmul.f32 v15, v13;
	v5 =	vadd.f32 v5, v14  }
.LBB2_6:
0x121: {  	p0 =	sne.s32 s12, $0xFE00;
	v13 =	vld [tilespmem:s3+$0x14410];
	v14 =	vadd.s32 s25, v4  }
0x122: {  	v15 =	vld [tilespmem:s3+$0x8420];
	v9 =	vadd.f32 v10, v9;
	v6 =	vmul.f32 v7, v6;
	v7 =	vperm.xlane v5, v3  }
0x123: {  	v10 =	vld [tilespmem:s3+$0x14420]  }
0x124: {  	v16 =	vld [tilespmem:s3+$0x8430];
	v6 =	vadd.f32 v6, v9;
	v5 =	vadd.f32 v5, v7  }
0x125: {  	v7 =	vmul.f32 v12, v8;
	v8 =	vld [tilespmem:s3+$0x14430]  }
0x126: {  	v9 =	vmul.f32 v13, v11;
	v11 =	vld [tilespmem:s3+$0x8440];
	v12 =	vperm.xlane v6, v0;
	[tilespmem:v14+s29+$0x0] =	vst.idx.msk $0x1, v5  }
0x127: {  	v5 =	vld [tilespmem:s3+$0x14440]  }
0x128: {  	v7 =	vadd.f32 v9, v7;
	v9 =	vmul.f32 v10, v15;
	v10 =	vld [tilespmem:s3+$0x8450];
	v12 =	vadd.f32 v6, v12  }
0x129: {  	v13 =	vld [tilespmem:s3+$0x14450]  }
0x12a: {  	v6 =	vadd.f32 v9, v7;
	v7 =	vmul.f32 v8, v16;
	v14 =	vld [tilespmem:s3+$0x8460];
	v8 =	vperm.xlane v12, v1  }
0x12b: {  	v15 =	vld [tilespmem:s3+$0x14460]  }
.Ltmp2:
0x12c: {  	v9 =	vadd.f32 v7, v6;
	v5 =	vmul.f32 v5, v11;
	v6 =	vld [tilespmem:s3+$0x8470];
	v16 =	vadd.f32 v12, v8;
	(pc) =	sbr.rel @p0 .LBB2_6-.Ltmp2, $4  }
0x12d: {  	v7 =	vld [tilespmem:s3+$0x14470];
	s3 =	sshra.s32 s12, $0x2  }
0x12e: {  	v8 =	vld [tilespmem:s3+$0x8400];
	v5 =	vadd.f32 v5, v9;
	v9 =	vmul.f32 v13, v10;
	v13 =	vperm.xlane v16, v2  }
0x12f: {  	v12 =	vld [tilespmem:s3+$0x14400]  }
0x130: {  	s25 =	sadd.s32 $0x1, s25;
	s12 =	sadd.s32 $0x200, s12;
	v11 =	vld [tilespmem:s3+$0x8410];
	v9 =	vadd.f32 v9, v5;
	v10 =	vmul.f32 v15, v14;
	v5 =	vadd.f32 v16, v13  }
0x131: {  	v13 =	vld [tilespmem:s3+$0x14410]  }
0x132: {  	v14 =	vld [tilespmem:s3+$0x8420]  }
0x133: {  	v15 =	vld [tilespmem:s3+$0x14420]  }
0x134: {  	v16 =	vld [tilespmem:s3+$0x8430]  }
0x135: {  	v17 =	vld [tilespmem:s3+$0x14430]  }
0x136: {  	v8 =	vmul.f32 v12, v8;
	v12 =	vld [tilespmem:s3+$0x8440];
	v11 =	vmul.f32 v13, v11  }
0x137: {  	v13 =	vld [tilespmem:s3+$0x14440]  }
0x138: {  	v8 =	vadd.f32 v11, v8;
	v11 =	vmul.f32 v15, v14;
	v14 =	vld [tilespmem:s3+$0x8450]  }
0x139: {  	v15 =	vld [tilespmem:s3+$0x14450]  }
0x13a: {  	v61 =	vld [tilespmem:s3+$0x8460];
	v8 =	vadd.f32 v11, v8;
	v11 =	vmul.f32 v17, v16  }
0x13b: {  	v62 =	vld [tilespmem:s3+$0x14460]  }
0x13c: {  	v8 =	vadd.f32 v11, v8;
	v11 =	vmul.f32 v13, v12;
	v12 =	vld [tilespmem:s3+$0x8470]  }
0x13d: {  	v13 =	vld [tilespmem:s3+$0x14470]  }
0x13e: {  	v8 =	vadd.f32 v11, v8;
	v11 =	vmul.f32 v15, v14;
	_ =	sdelay $0x1  }
0x13f: {  	v8 =	vadd.f32 v11, v8;
	v11 =	vmul.f32 v62, v61  }
0x140: {  	v9 =	vadd.f32 v10, v9;
	v6 =	vmul.f32 v7, v6  }
0x141: {  	v7 =	vadd.f32 v11, v8;
	v8 =	vmul.f32 v13, v12  }
0x142: {  	v6 =	vadd.f32 v6, v9  }
0x143: {  	v7 =	vadd.f32 v8, v7  }
0x144: {  	v8 =	vperm.xlane v6, v0  }
0x145: {  	v9 =	vperm.xlane v7, v0  }
0x146: {  	v6 =	vadd.f32 v6, v8  }
0x147: {  	v7 =	vadd.f32 v7, v9  }
0x148: {  	v8 =	vperm.xlane v6, v1  }
0x149: {  	v9 =	vperm.xlane v7, v1  }
0x14a: {  	v6 =	vadd.f32 v6, v8  }
0x14b: {  	v7 =	vadd.f32 v7, v9  }
0x14c: {  	v8 =	vperm.xlane v6, v2  }
0x14d: {  	v9 =	vperm.xlane v7, v2  }
0x14e: {  	s12 =	sadd.s32 $0x1, s25;
	v10 =	vadd.s32 s25, v4;
	v6 =	vadd.f32 v6, v8  }
0x14f: {  	s3 =	sadd.s32 $0x1, s12;
	v11 =	vadd.s32 s12, v4;
	v8 =	vperm.xlane v5, v3;
	v7 =	vadd.f32 v7, v9  }
0x150: {  	v12 =	vadd.s32 s3, v4;
	v9 =	vperm.xlane v6, v3  }
0x151: {  	v5 =	vadd.f32 v5, v8;
	v8 =	vperm.xlane v7, v3  }
0x152: {  	v6 =	vadd.f32 v6, v9  }
0x153: {  	[tilespmem:v10+s29+$0x0] =	vst.idx.msk $0x1, v5;
	v5 =	vadd.f32 v7, v8  }
0x154: {  	[tilespmem:v11+s29+$0x0] =	vst.idx.msk $0x1, v6  }
0x155: {  	[tilespmem:v12+s29+$0x0] =	vst.idx.msk $0x1, v5  }
0x156: {  	_ =	swait.ge [sflag:s22], $0x40  }
0x157: {  	[sflag:s22] =	ssyncset.done $0x0  }
0x158: {  	s13 =	simm.s32 $0x18480;
	[sflag:s22] =	ssyncadd.s32 $0xFFFFFFC0  }
0x159: {  	[hbm4b:s11+s4] =	stream.linear.scatter [tilespmem:s13], [sflag:$0x4], $0x80, $0x38;
	[tilespmem:$0x18600] =	vst v63  }
0x15a: {  	_ =	swait.ge [sflag:s28], $0x4000  }
0x15b: {  	[sflag:s28] =	ssyncset.done $0x0  }
0x15c: {  	[sflag:s28] =	ssyncadd.s32 $0xFFFFC000  }
0x15d: {  	_ =	swait.ge [sflag:s28], $0x4000  }
0x15e: {  	[sflag:s28] =	ssyncset.done $0x0  }
0x15f: {  	s25 =	simm.s32 $0x440;
	[sflag:s28] =	ssyncadd.s32 $0xFFFFC000  }
0x160: {  	s12 =	simm.s32 $0xC440;
	v5 =	vld [tilespmem:s25+$0xFFFFFFC0]  }
0x161: {  	v6 =	vld [tilespmem:s12+$0xFFFFFFC0]  }
0x162: {  	v7 =	vld [tilespmem:s25+$0xFFFFFFD0]  }
0x163: {  	v8 =	vld [tilespmem:s12+$0xFFFFFFD0]  }
0x164: {  	v9 =	vld [tilespmem:s25+$0xFFFFFFE0]  }
0x165: {  	v10 =	vld [tilespmem:s12+$0xFFFFFFE0]  }
0x166: {  	v11 =	vld [tilespmem:s25+$0xFFFFFFF0]  }
0x167: {  	v12 =	vld [tilespmem:s12+$0xFFFFFFF0]  }
0x168: {  	v13 =	vld [tilespmem:s25+$0x0];
	v5 =	vmul.f32 v6, v5;
	v6 =	vmul.f32 v8, v7  }
0x169: {  	v7 =	vld [tilespmem:s12+$0x0]  }
0x16a: {  	v8 =	vld [tilespmem:s25+$0x10];
	v5 =	vadd.f32 v6, v5;
	v6 =	vmul.f32 v10, v9  }
0x16b: {  	v9 =	vld [tilespmem:s12+$0x10]  }
0x16c: {  	v10 =	vld [tilespmem:s25+$0x20];
	v5 =	vadd.f32 v6, v5;
	v6 =	vmul.f32 v12, v11  }
0x16d: {  	v11 =	vld [tilespmem:s12+$0x20]  }
0x16e: {  	v12 =	vld [tilespmem:s25+$0x30];
	v5 =	vadd.f32 v6, v5;
	v6 =	vmul.f32 v7, v13  }
0x16f: {  	s13 =	simm.s32 $0x4C0;
	v7 =	vld [tilespmem:s12+$0x30]  }
0x170: {  	s25 =	simm.s32 $0xC4C0;
	v13 =	vld [tilespmem:s13+$0xFFFFFFC0];
	v5 =	vadd.f32 v6, v5;
	v6 =	vmul.f32 v9, v8  }
0x171: {  	v8 =	vld [tilespmem:s25+$0xFFFFFFC0]  }
0x172: {  	v9 =	vld [tilespmem:s13+$0xFFFFFFD0];
	v5 =	vadd.f32 v6, v5;
	v6 =	vmul.f32 v11, v10  }
0x173: {  	v10 =	vld [tilespmem:s25+$0xFFFFFFD0]  }
0x174: {  	v11 =	vld [tilespmem:s13+$0xFFFFFFE0];
	v5 =	vadd.f32 v6, v5;
	v6 =	vmul.f32 v7, v12  }
0x175: {  	v7 =	vld [tilespmem:s25+$0xFFFFFFE0]  }
0x176: {  	v12 =	vld [tilespmem:s13+$0xFFFFFFF0];
	v5 =	vadd.f32 v6, v5  }
0x177: {  	v8 =	vmul.f32 v8, v13;
	v6 =	vld [tilespmem:s25+$0xFFFFFFF0]  }
0x178: {  	v14 =	vld [tilespmem:s25+$0x0];
	v9 =	vmul.f32 v10, v9;
	v13 =	vperm.xlane v5, v0  }
0x179: {  	v10 =	vld [tilespmem:s13+$0x0]  }
0x17a: {  	v8 =	vadd.f32 v9, v8;
	v7 =	vmul.f32 v7, v11;
	v11 =	vld [tilespmem:s13+$0x10];
	v9 =	vadd.f32 v5, v13  }
0x17b: {  	v13 =	vld [tilespmem:s25+$0x10]  }
0x17c: {  	v15 =	vld [tilespmem:s25+$0x20];
	v5 =	vadd.f32 v7, v8;
	v6 =	vmul.f32 v6, v12;
	v7 =	vperm.xlane v9, v1  }
0x17d: {  	v8 =	vld [tilespmem:s13+$0x20]  }
0x17e: {  	v10 =	vmul.f32 v14, v10;
	v6 =	vadd.f32 v6, v5;
	v5 =	vld [tilespmem:s13+$0x30];
	v14 =	vadd.f32 v9, v7  }
0x17f: {  	s3 =	simm.s32 $0xC540;
	v7 =	vld [tilespmem:s25+$0x30]  }
0x180: {  	s31 =	simm.s32 $0x540;
	v12 =	vld [tilespmem:s3+$0xFFFFFFC0];
	v6 =	vadd.f32 v10, v6;
	v10 =	vmul.f32 v13, v11;
	v63 =	vperm.xlane v14, v2  }
0x181: {  	v9 =	vld [tilespmem:s31+$0xFFFFFFC0]  }
0x182: {  	s13 =	simm.s32 $0x100;
	v13 =	vld [tilespmem:s31+$0xFFFFFFD0];
	v11 =	vmul.f32 v15, v8;
	v10 =	vadd.f32 v10, v6;
	v8 =	vadd.f32 v14, v63  }
0x183: {  	s30 =	simm.s32 $0x101;
	s12 =	simm.s32 $0x103;
	s25 =	simm.s32 $0x102;
	v6 =	vadd.s32 s13, v4;
	v14 =	vld [tilespmem:s3+$0xFFFFFFD0]  }
.LBB2_8:
0x184: {  	p0 =	sne.s32 s12, $0x17F;
	v15 =	vld [tilespmem:s31+$0xFFFFFFE0];
	v10 =	vadd.f32 v11, v10;
	v5 =	vmul.f32 v7, v5;
	v7 =	vperm.xlane v8, v3  }
0x185: {  	v11 =	vld [tilespmem:s3+$0xFFFFFFE0]  }
0x186: {  	v16 =	vld [tilespmem:s31+$0xFFFFFFF0];
	v5 =	vadd.f32 v5, v10;
	v7 =	vadd.f32 v8, v7  }
0x187: {  	v8 =	vmul.f32 v12, v9;
	v9 =	vld [tilespmem:s3+$0xFFFFFFF0]  }
0x188: {  	v10 =	vmul.f32 v14, v13;
	v12 =	vld [tilespmem:s31+$0x0];
	v13 =	vperm.xlane v5, v0;
	[tilespmem:v6+s29+$0x0] =	vst.idx.msk $0x1, v7  }
0x189: {  	v6 =	vld [tilespmem:s3+$0x0]  }
0x18a: {  	v7 =	vadd.f32 v10, v8;
	v8 =	vmul.f32 v11, v15;
	v10 =	vld [tilespmem:s31+$0x10];
	v11 =	vadd.f32 v5, v13  }
0x18b: {  	v13 =	vld [tilespmem:s3+$0x10]  }
0x18c: {  	v5 =	vadd.f32 v8, v7;
	v7 =	vmul.f32 v9, v16;
	v8 =	vld [tilespmem:s31+$0x20];
	v9 =	vperm.xlane v11, v1  }
0x18d: {  	v14 =	vld [tilespmem:s3+$0x20]  }
0x18e: {  	v15 =	vadd.f32 v7, v5;
	v6 =	vmul.f32 v6, v12;
	v5 =	vld [tilespmem:s31+$0x30];
	v16 =	vadd.f32 v11, v9  }
.Ltmp3:
0x18f: {  	s31 =	sadd.s32 $0x80, s31;
	v7 =	vld [tilespmem:s3+$0x30];
	(pc) =	sbr.rel @p0 .LBB2_8-.Ltmp3, $4  }
0x190: {  	s3 =	sadd.s32 $0x80, s3;
	v9 =	vld [tilespmem:s31+$0xFFFFFFC0];
	v6 =	vadd.f32 v6, v15;
	v10 =	vmul.f32 v13, v10;
	v15 =	vperm.xlane v16, v2  }
0x191: {  	v12 =	vld [tilespmem:s3+$0xFFFFFFC0]  }
0x192: {  	v13 =	vld [tilespmem:s31+$0xFFFFFFD0];
	v10 =	vadd.f32 v10, v6;
	v11 =	vmul.f32 v14, v8;
	v8 =	vadd.f32 v16, v15  }
0x193: {  	v6 =	vadd.s32 s30, v4;
	s30 =	smov.u32 s25;
	s25 =	smov.u32 s12;
	s12 =	sadd.s32 $0x1, s12;
	v14 =	vld [tilespmem:s3+$0xFFFFFFD0]  }
0x194: {  	v15 =	vld [tilespmem:s31+$0xFFFFFFE0]  }
0x195: {  	v16 =	vld [tilespmem:s3+$0xFFFFFFE0]  }
0x196: {  	v17 =	vld [tilespmem:s31+$0xFFFFFFF0]  }
0x197: {  	v18 =	vld [tilespmem:s3+$0xFFFFFFF0]  }
0x198: {  	v9 =	vmul.f32 v12, v9;
	v12 =	vmul.f32 v14, v13;
	v13 =	vld [tilespmem:s31+$0x0]  }
0x199: {  	v14 =	vld [tilespmem:s3+$0x0]  }
0x19a: {  	v60 =	vld [tilespmem:s3+$0x10];
	v9 =	vadd.f32 v12, v9;
	v12 =	vmul.f32 v16, v15  }
0x19b: {  	v15 =	vld [tilespmem:s31+$0x10]  }
0x19c: {  	v61 =	vld [tilespmem:s31+$0x20];
	v9 =	vadd.f32 v12, v9;
	v12 =	vmul.f32 v18, v17  }
0x19d: {  	v62 =	vld [tilespmem:s3+$0x20]  }
0x19e: {  	v9 =	vadd.f32 v12, v9;
	v12 =	vmul.f32 v14, v13;
	v13 =	vld [tilespmem:s31+$0x30]  }
0x19f: {  	v14 =	vld [tilespmem:s3+$0x30]  }
0x1a0: {  	v9 =	vadd.f32 v12, v9;
	v12 =	vmul.f32 v60, v15;
	_ =	sdelay $0x1  }
0x1a1: {  	v9 =	vadd.f32 v12, v9;
	v12 =	vmul.f32 v62, v61  }
0x1a2: {  	v10 =	vadd.f32 v11, v10;
	v5 =	vmul.f32 v7, v5  }
0x1a3: {  	v7 =	vadd.f32 v12, v9;
	v9 =	vmul.f32 v14, v13  }
0x1a4: {  	v5 =	vadd.f32 v5, v10  }
0x1a5: {  	v7 =	vadd.f32 v9, v7  }
0x1a6: {  	v9 =	vperm.xlane v5, v0  }
0x1a7: {  	v10 =	vperm.xlane v7, v0  }
0x1a8: {  	v5 =	vadd.f32 v5, v9  }
0x1a9: {  	v7 =	vadd.f32 v7, v10  }
0x1aa: {  	v9 =	vperm.xlane v5, v1  }
0x1ab: {  	v10 =	vperm.xlane v7, v1  }
0x1ac: {  	v5 =	vadd.f32 v5, v9  }
0x1ad: {  	v7 =	vadd.f32 v7, v10  }
0x1ae: {  	v9 =	vperm.xlane v5, v2  }
0x1af: {  	v10 =	vperm.xlane v7, v2  }
0x1b0: {  	v5 =	vadd.f32 v5, v9  }
0x1b1: {  	v11 =	vadd.s32 s30, v4;
	v9 =	vperm.xlane v8, v3;
	v7 =	vadd.f32 v7, v10  }
0x1b2: {  	v12 =	vadd.s32 s25, v4;
	v10 =	vperm.xlane v5, v3  }
0x1b3: {  	v8 =	vadd.f32 v8, v9;
	v9 =	vperm.xlane v7, v3  }
0x1b4: {  	v5 =	vadd.f32 v5, v10  }
0x1b5: {  	[tilespmem:v6+s29+$0x0] =	vst.idx.msk $0x1, v8;
	v6 =	vadd.f32 v7, v9  }
0x1b6: {  	[tilespmem:v11+s29+$0x0] =	vst.idx.msk $0x1, v5  }
0x1b7: {  	[tilespmem:v12+s29+$0x0] =	vst.idx.msk $0x1, v6  }
0x1b8: {  	_ =	swait.ge [sflag:s22], $0x80  }
0x1b9: {  	[sflag:s22] =	ssyncset.done $0x0  }
0x1ba: {  	s12 =	simm.s32 $0x18500;
	s25 =	simm.s32 $0x0;
	[sflag:s22] =	ssyncadd.s32 $0xFFFFFF80  }
0x1bb: {  	[hbm4b:s16+s25] =	stream.linear.scatter [tilespmem:s12], [sflag:$0x4], $0x80, $0x38;
	[tilespmem:$0x18600] =	vst v63  }
0x1bc: {  	_ =	swait.ge [sflag:s0], $0x4000  }
0x1bd: {  	[sflag:s0] =	ssyncset.done $0x0  }
0x1be: {  	[sflag:s0] =	ssyncadd.s32 $0xFFFFC000  }
0x1bf: {  	_ =	swait.ge [sflag:s0], $0x4000  }
0x1c0: {  	[sflag:s0] =	ssyncset.done $0x0  }
0x1c1: {  	s30 =	simm.s32 $0x0;
	[sflag:s0] =	ssyncadd.s32 $0xFFFFC000  }
0x1c2: {  	v5 =	vld [tilespmem:s30+$0x4400]  }
0x1c3: {  	v6 =	vld [tilespmem:s30+$0x10400]  }
0x1c4: {  	v7 =	vld [tilespmem:s30+$0x4410]  }
0x1c5: {  	v8 =	vld [tilespmem:s30+$0x10410]  }
0x1c6: {  	v9 =	vld [tilespmem:s30+$0x4420]  }
0x1c7: {  	v10 =	vld [tilespmem:s30+$0x10420]  }
0x1c8: {  	v11 =	vld [tilespmem:s30+$0x4430]  }
0x1c9: {  	v12 =	vld [tilespmem:s30+$0x10430]  }
0x1ca: {  	v5 =	vmul.f32 v6, v5;
	v6 =	vmul.f32 v8, v7;
	v7 =	vld [tilespmem:s30+$0x4440]  }
0x1cb: {  	v8 =	vld [tilespmem:s30+$0x10440]  }
0x1cc: {  	v5 =	vadd.f32 v6, v5;
	v6 =	vmul.f32 v10, v9;
	v9 =	vld [tilespmem:s30+$0x4450]  }
0x1cd: {  	v10 =	vld [tilespmem:s30+$0x10450]  }
0x1ce: {  	v5 =	vadd.f32 v6, v5;
	v6 =	vmul.f32 v12, v11;
	v11 =	vld [tilespmem:s30+$0x4460]  }
0x1cf: {  	v12 =	vld [tilespmem:s30+$0x10460]  }
0x1d0: {  	v5 =	vadd.f32 v6, v5;
	v6 =	vmul.f32 v8, v7;
	v7 =	vld [tilespmem:s30+$0x4470]  }
0x1d1: {  	s31 =	simm.s32 $0x80;
	v8 =	vld [tilespmem:s30+$0x10470]  }
0x1d2: {  	v13 =	vld [tilespmem:s31+$0x4400];
	v5 =	vadd.f32 v6, v5;
	v6 =	vmul.f32 v10, v9  }
0x1d3: {  	v9 =	vld [tilespmem:s31+$0x10400]  }
0x1d4: {  	v10 =	vld [tilespmem:s31+$0x4410];
	v5 =	vadd.f32 v6, v5;
	v6 =	vmul.f32 v12, v11  }
0x1d5: {  	v11 =	vld [tilespmem:s31+$0x10410]  }
0x1d6: {  	v12 =	vld [tilespmem:s31+$0x4420];
	v5 =	vadd.f32 v6, v5;
	v6 =	vmul.f32 v8, v7  }
0x1d7: {  	v7 =	vld [tilespmem:s31+$0x10420]  }
0x1d8: {  	v8 =	vld [tilespmem:s31+$0x4430];
	v5 =	vadd.f32 v6, v5  }
0x1d9: {  	v6 =	vmul.f32 v9, v13;
	v9 =	vld [tilespmem:s31+$0x10430]  }
0x1da: {  	v14 =	vld [tilespmem:s31+$0x10440];
	v10 =	vmul.f32 v11, v10;
	v13 =	vperm.xlane v5, v0  }
0x1db: {  	v11 =	vld [tilespmem:s31+$0x4440]  }
0x1dc: {  	v6 =	vadd.f32 v10, v6;
	v7 =	vmul.f32 v7, v12;
	v10 =	vld [tilespmem:s31+$0x4450];
	v12 =	vadd.f32 v5, v13  }
0x1dd: {  	v13 =	vld [tilespmem:s31+$0x10450]  }
0x1de: {  	v15 =	vld [tilespmem:s31+$0x4460];
	v5 =	vadd.f32 v7, v6;
	v6 =	vmul.f32 v9, v8;
	v7 =	vperm.xlane v12, v1  }
0x1df: {  	v63 =	vld [tilespmem:s31+$0x10460]  }
0x1e0: {  	v9 =	vmul.f32 v14, v11;
	v6 =	vadd.f32 v6, v5;
	v5 =	vld [tilespmem:s31+$0x4470];
	v14 =	vadd.f32 v12, v7  }
0x1e1: {  	s3 =	simm.s32 $0x100;
	v7 =	vld [tilespmem:s31+$0x10470]  }
0x1e2: {  	v8 =	vld [tilespmem:s3+$0x4400];
	v6 =	vadd.f32 v9, v6;
	v9 =	vmul.f32 v13, v10;
	v13 =	vperm.xlane v14, v2  }
0x1e3: {  	v11 =	vld [tilespmem:s3+$0x10400]  }
0x1e4: {  	s13 =	simm.s32 $0x400;
	s25 =	simm.s32 $0x180;
	s12 =	simm.s32 $0x600;
	v12 =	vld [tilespmem:s3+$0x4410];
	v10 =	vmul.f32 v63, v15;
	v9 =	vadd.f32 v9, v6;
	v6 =	vadd.f32 v14, v13  }
.LBB2_10:
0x1e5: {  	p0 =	sne.s32 s12, $0xFE00;
	v13 =	vld [tilespmem:s3+$0x10410];
	v14 =	vadd.s32 s25, v4  }
0x1e6: {  	v15 =	vld [tilespmem:s3+$0x4420];
	v9 =	vadd.f32 v10, v9;
	v5 =	vmul.f32 v7, v5;
	v7 =	vperm.xlane v6, v3  }
0x1e7: {  	v10 =	vld [tilespmem:s3+$0x10420]  }
0x1e8: {  	v16 =	vld [tilespmem:s3+$0x4430];
	v5 =	vadd.f32 v5, v9;
	v6 =	vadd.f32 v6, v7  }
0x1e9: {  	v7 =	vmul.f32 v11, v8;
	v8 =	vld [tilespmem:s3+$0x10430]  }
0x1ea: {  	v9 =	vmul.f32 v13, v12;
	v11 =	vld [tilespmem:s3+$0x4440];
	v12 =	vperm.xlane v5, v0;
	[tilespmem:v14+s29+$0x0] =	vst.idx.msk $0x1, v6  }
0x1eb: {  	v6 =	vld [tilespmem:s3+$0x10440]  }
0x1ec: {  	v7 =	vadd.f32 v9, v7;
	v9 =	vmul.f32 v10, v15;
	v10 =	vld [tilespmem:s3+$0x4450];
	v12 =	vadd.f32 v5, v12  }
0x1ed: {  	v13 =	vld [tilespmem:s3+$0x10450]  }
0x1ee: {  	v5 =	vadd.f32 v9, v7;
	v7 =	vmul.f32 v8, v16;
	v14 =	vld [tilespmem:s3+$0x4460];
	v8 =	vperm.xlane v12, v1  }
0x1ef: {  	v15 =	vld [tilespmem:s3+$0x10460]  }
.Ltmp4:
0x1f0: {  	v9 =	vadd.f32 v7, v5;
	v6 =	vmul.f32 v6, v11;
	v5 =	vld [tilespmem:s3+$0x4470];
	v16 =	vadd.f32 v12, v8;
	(pc) =	sbr.rel @p0 .LBB2_10-.Ltmp4, $4  }
0x1f1: {  	v7 =	vld [tilespmem:s3+$0x10470];
	s3 =	sshra.s32 s12, $0x2  }
0x1f2: {  	v8 =	vld [tilespmem:s3+$0x4400];
	v6 =	vadd.f32 v6, v9;
	v9 =	vmul.f32 v13, v10;
	v13 =	vperm.xlane v16, v2  }
0x1f3: {  	v11 =	vld [tilespmem:s3+$0x10400]  }
0x1f4: {  	s25 =	sadd.s32 $0x1, s25;
	s12 =	sadd.s32 $0x200, s12;
	v12 =	vld [tilespmem:s3+$0x4410];
	v9 =	vadd.f32 v9, v6;
	v10 =	vmul.f32 v15, v14;
	v6 =	vadd.f32 v16, v13  }
0x1f5: {  	v13 =	vld [tilespmem:s3+$0x10410]  }
0x1f6: {  	v14 =	vld [tilespmem:s3+$0x4420]  }
0x1f7: {  	v15 =	vld [tilespmem:s3+$0x10420]  }
0x1f8: {  	v16 =	vld [tilespmem:s3+$0x4430]  }
0x1f9: {  	v17 =	vld [tilespmem:s3+$0x10430]  }
0x1fa: {  	v42 =	vld [tilespmem:s3+$0x4440];
	v8 =	vmul.f32 v11, v8;
	v41 =	vmul.f32 v13, v12  }
0x1fb: {  	v43 =	vld [tilespmem:s3+$0x10440]  }
0x1fc: {  	v45 =	vld [tilespmem:s3+$0x4450];
	v44 =	vmul.f32 v15, v14;
	v8 =	vadd.f32 v41, v8  }
0x1fd: {  	v46 =	vld [tilespmem:s3+$0x10450]  }
0x1fe: {  	v48 =	vld [tilespmem:s3+$0x4460];
	v47 =	vmul.f32 v17, v16;
	v8 =	vadd.f32 v44, v8  }
0x1ff: {  	v49 =	vld [tilespmem:s3+$0x10460]  }
0x200: {  	v51 =	vld [tilespmem:s3+$0x4470];
	v50 =	vmul.f32 v43, v42;
	v8 =	vadd.f32 v47, v8  }
0x201: {  	v52 =	vld [tilespmem:s3+$0x10470]  }
0x202: {  	v53 =	vmul.f32 v46, v45;
	v8 =	vadd.f32 v50, v8;
	_ =	sdelay $0x1  }
0x203: {  	v54 =	vmul.f32 v49, v48;
	v8 =	vadd.f32 v53, v8  }
0x204: {  	v9 =	vadd.f32 v10, v9;
	v5 =	vmul.f32 v7, v5  }
0x205: {  	v55 =	vmul.f32 v52, v51;
	v7 =	vadd.f32 v54, v8  }
0x206: {  	v5 =	vadd.f32 v5, v9  }
0x207: {  	v7 =	vadd.f32 v55, v7  }
0x208: {  	v56 =	vperm.xlane v5, v0  }
0x209: {  	v57 =	vperm.xlane v7, v0  }
0x20a: {  	v5 =	vadd.f32 v5, v56  }
0x20b: {  	v7 =	vadd.f32 v7, v57  }
0x20c: {  	v8 =	vperm.xlane v5, v1  }
0x20d: {  	v9 =	vperm.xlane v7, v1  }
0x20e: {  	v5 =	vadd.f32 v5, v8  }
0x20f: {  	v7 =	vadd.f32 v7, v9  }
0x210: {  	v8 =	vperm.xlane v5, v2  }
0x211: {  	v9 =	vperm.xlane v7, v2  }
0x212: {  	v58 =	vadd.s32 s25, v4;
	s30 =	sadd.s32 $0x1, s25;
	v5 =	vadd.f32 v5, v8  }
0x213: {  	v59 =	vperm.xlane v6, v3;
	v60 =	vadd.s32 s30, v4;
	s3 =	sadd.s32 $0x1, s30;
	v7 =	vadd.f32 v7, v9  }
0x214: {  	v62 =	vadd.s32 s3, v4;
	v61 =	vperm.xlane v5, v3  }
0x215: {  	v6 =	vadd.f32 v6, v59;
	v63 =	vperm.xlane v7, v3  }
0x216: {  	v5 =	vadd.f32 v5, v61  }
0x217: {  	[tilespmem:v58+s29+$0x0] =	vst.idx.msk $0x1, v6;
	v6 =	vadd.f32 v7, v63  }
0x218: {  	[tilespmem:v60+s29+$0x0] =	vst.idx.msk $0x1, v5  }
0x219: {  	[tilespmem:v62+s29+$0x0] =	vst.idx.msk $0x1, v6  }
0x21a: {  	s21 =	sadd.s32 $0x1, s21;
	_ =	swait.ge [sflag:s22], $0x80  }
0x21b: {  	p0 =	sne.s32 s21, s18;
	[sflag:s22] =	ssyncset.done $0x0  }
.Ltmp5:
0x21c: {  	s31 =	simm.s32 $0x18580;
	[sflag:s22] =	ssyncadd.s32 $0xFFFFFF80;
	(pc) =	sbr.rel @p0 .LBB2_1-.Ltmp5, $4  }
0x21d: {  	[hbm4b:s17+s4] =	stream.linear.scatter [tilespmem:s31], [sflag:$0x4], $0x80, $0x38;
	[tilespmem:$0x18600] =	vst v63  }
0x21e: {  	_ =	swait.ge [sflag:s22], $0x80  }
0x21f: {  	[sflag:s22] =	ssyncset.done $0x0  }
0x220: {  	[sflag:s22] =	ssyncadd.s32 $0xFFFFFF80  }
0x221: {  	_ =	sfence.sel $0x180000  }
0x222: {  	[bflag:$0x0] =	sbarrier.arrive $0xFFFF  }
0x223: {  	_ =	strace $0x90000047  }
0x224: {  	s0 =	stileid.u32;
	[bflag:$0x2] =	sbarrier.arrive $0xFFFF  }
0x225: {  	p0 =	sne.s32 s0, $0x0;
	s0 =	rddreg [dreg:$0x5]  }
0x226: {  	s0 =	sadd.s32 @!p0 $0x100000, s0  }
0x227: {  	[sflag:s0] =	ssyncadd.tile.s32 @!p0 $0x1;
	_ =	shalt  }
.Lfunc_end2:
_tile_overlayer_lowered:
.L_overlay_start_2:
0x228: {  	(tag) =	ssettag $0x2  }
0x229: {  	s0 =	rddreg [dreg:$0x0];
	s2 =	stileid.u32  }
0x22a: {  	s1 =	rddreg [dreg:$0x1];
	p0 =	sne.s32 s2, $0x0  }
0x22b: {  	s3 =	rddreg [dreg:$0x2];
	[bflag:$0x3] =	sbarrier.arrive $0xFFFF;
	s2 =	simm.s32 @!p0 $0x1C05  }
0x22c: {  	[timem:s3], [sflag:s2] =	dma.local @!p0 [hbm:s0], s1  }
0x22d: {  	s0 =	simm.s32 @!p0 $0x5  }
0x22e: {  	_ =	swait.ge @!p0 [sflag:s0], s1  }
0x22f: {  	s1 =	ssub.s32 @!p0 $0x0, s1;
	[sflag:s0] =	ssyncset.done @!p0 $0x0  }
0x230: {  	[sflag:s0] =	ssyncadd.s32 @!p0 s1  }
0x231: {  	[bflag:$0x3] =	sbarrier.arrive $0xFFFF  }
0x232: {  	_ =	shalt  }

</sc_bundles>
